<compile_context>
chip_gen: v7x
topology: tpu7x:2x2x1
jax: 0.10.2.dev20260603
libtpu: 0.0.44.dev20260713+nightly
codegen_flags: <defaults>
</compile_context>

<pallas_src>
import functools

import jax
import jax.numpy as jnp
from jax import lax
from jax.experimental import pallas as pl
from jax.experimental.pallas import tpu as pltpu
from jax.experimental.pallas import tpu_sc as plsc

N_NODES = 10000
H = 128
NC = 2
NS = 16
NW = NC * NS
CH = 128
ACC_ROWS = 10240
RPT = ACC_ROWS // NS
DEGW = 16
BT = 1000

NCHUNK = 79
E_PAD = NW * NCHUNK * CH



def _sc_deg(dstr):
    mesh = plsc.VectorSubcoreMesh(core_axis_name="c", subcore_axis_name="s")

    @functools.partial(
        pl.kernel,
        out_type=jax.ShapeDtypeStruct((NC, ACC_ROWS, H), jnp.float32),
        mesh=mesh,
        scratch_types=[
            pltpu.VMEM((CH,), jnp.int32),
            pltpu.VMEM((CH, H), jnp.float32),
            pltpu.VMEM_SHARED((ACC_ROWS, H), jnp.float32),
        ],
    )
    def k(dst_hbm, out_hbm, dst_v, ones_v, acc):
        cid = lax.axis_index("c")
        sid = lax.axis_index("s")
        wid = cid * NS + sid

        def fill(val):
            def body(i, carry):
                for j in range(H // 16):
                    ones_v[i, pl.ds(j * 16, 16)] = jnp.full((16,), val, jnp.float32)
                return carry
            lax.fori_loop(0, CH, body, 0)

        fill(0.0)
        base = sid * RPT
        for j in range(RPT // CH):
            pltpu.sync_copy(ones_v, acc.at[pl.ds(base + j * CH, CH)])
        fill(1.0)
        plsc.subcore_barrier()

        def body(i, carry):
            pltpu.sync_copy(dst_hbm.at[wid, i], dst_v)
            pltpu.sync_copy(ones_v, acc.at[dst_v], add=True)
            return carry
        lax.fori_loop(0, NCHUNK, body, 0)
        plsc.subcore_barrier()
        pltpu.sync_copy(acc.at[pl.ds(base, RPT)], out_hbm.at[cid, pl.ds(base, RPT)])

    return k(dstr)


def _sc_agg(hs, srcr, dstr):
    mesh = plsc.VectorSubcoreMesh(core_axis_name="c", subcore_axis_name="s")

    @functools.partial(
        pl.kernel,
        out_type=jax.ShapeDtypeStruct((NC, ACC_ROWS, H), jnp.float32),
        mesh=mesh,
        scratch_types=[
            pltpu.VMEM((CH,), jnp.int32),
            pltpu.VMEM((CH,), jnp.int32),
            pltpu.VMEM((CH, H), jnp.float32),
            pltpu.VMEM_SHARED((ACC_ROWS, H), jnp.float32),
        ],
    )
    def k(hs_hbm, src_hbm, dst_hbm, out_hbm, src_v, dst_v, rows_v, acc):
        cid = lax.axis_index("c")
        sid = lax.axis_index("s")
        wid = cid * NS + sid

        def zbody(i, carry):
            for j in range(H // 16):
                rows_v[i, pl.ds(j * 16, 16)] = jnp.zeros((16,), jnp.float32)
            return carry
        lax.fori_loop(0, CH, zbody, 0)
        base = sid * RPT
        for j in range(RPT // CH):
            pltpu.sync_copy(rows_v, acc.at[pl.ds(base + j * CH, CH)])
        plsc.subcore_barrier()

        def body(i, carry):
            pltpu.sync_copy(src_hbm.at[wid, i], src_v)
            pltpu.sync_copy(dst_hbm.at[wid, i], dst_v)
            pltpu.sync_copy(hs_hbm.at[src_v], rows_v)
            pltpu.sync_copy(rows_v, acc.at[dst_v], add=True)
            return carry
        lax.fori_loop(0, NCHUNK, body, 0)
        plsc.subcore_barrier()
        pltpu.sync_copy(acc.at[pl.ds(base, RPT)], out_hbm.at[cid, pl.ds(base, RPT)])

    return k(hs, srcr, dstr)


def _tc_hs1(x, w1t, degp):
    grid = (N_NODES // BT,)

    def body(x_ref, w_ref, deg_ref, hs_ref, dinv_ref):
        dg = deg_ref[0, :, 0:1] + deg_ref[1, :, 0:1] + 1.0
        dinv = lax.rsqrt(dg)
        hs_ref[...] = jnp.dot(x_ref[...], w_ref[...],
                              preferred_element_type=jnp.float32) * dinv
        dinv_ref[...] = jnp.broadcast_to(dinv, (BT, DEGW))

    return pl.pallas_call(
        body,
        grid=grid,
        in_specs=[
            pl.BlockSpec((BT, H), lambda i: (i, 0)),
            pl.BlockSpec((H, H), lambda i: (0, 0)),
            pl.BlockSpec((NC, BT, H), lambda i: (0, i, 0)),
        ],
        out_specs=[
            pl.BlockSpec((BT, H), lambda i: (i, 0)),
            pl.BlockSpec((BT, DEGW), lambda i: (i, 0)),
        ],
        out_shape=[
            jax.ShapeDtypeStruct((N_NODES, H), jnp.float32),
            jax.ShapeDtypeStruct((N_NODES, DEGW), jnp.float32),
        ],
    )(x, w1t, degp)


def _tc_mid(aggp, hs1, dinvb, b1r, w2t):
    grid = (N_NODES // BT,)

    def body(agg_ref, hs_ref, dinv_ref, b_ref, w_ref, out_ref):
        dinv = dinv_ref[:, 0:1]
        o1 = jnp.maximum(
            dinv * (agg_ref[0] + agg_ref[1] + hs_ref[...]) + b_ref[...], 0.0)
        out_ref[...] = jnp.dot(o1, w_ref[...],
                               preferred_element_type=jnp.float32) * dinv

    return pl.pallas_call(
        body,
        grid=grid,
        in_specs=[
            pl.BlockSpec((NC, BT, H), lambda i: (0, i, 0)),
            pl.BlockSpec((BT, H), lambda i: (i, 0)),
            pl.BlockSpec((BT, DEGW), lambda i: (i, 0)),
            pl.BlockSpec((1, H), lambda i: (0, 0)),
            pl.BlockSpec((H, H), lambda i: (0, 0)),
        ],
        out_specs=pl.BlockSpec((BT, H), lambda i: (i, 0)),
        out_shape=jax.ShapeDtypeStruct((N_NODES, H), jnp.float32),
    )(aggp, hs1, dinvb, b1r, w2t)


def _tc_head(aggp, hs2, dinvb, b2r, lw1t, lb1r, lw2t, lb2r, lw3t8, lb38):
    grid = (N_NODES // BT,)

    def body(agg_ref, hs_ref, dinv_ref, b_ref, w1_ref, c1_ref, w2_ref, c2_ref,
             w3_ref, c3_ref, out_ref):
        dinv = dinv_ref[:, 0:1]
        o2 = jnp.maximum(
            dinv * (agg_ref[0] + agg_ref[1] + hs_ref[...]) + b_ref[...], 0.0)
        m1 = jnp.maximum(jnp.dot(o2, w1_ref[...],
                                 preferred_element_type=jnp.float32) + c1_ref[...], 0.0)
        m2 = jnp.maximum(jnp.dot(m1, w2_ref[...],
                                 preferred_element_type=jnp.float32) + c2_ref[...], 0.0)
        out_ref[...] = jnp.dot(m2, w3_ref[...],
                               preferred_element_type=jnp.float32) + c3_ref[...]

    return pl.pallas_call(
        body,
        grid=grid,
        in_specs=[
            pl.BlockSpec((NC, BT, H), lambda i: (0, i, 0)),
            pl.BlockSpec((BT, H), lambda i: (i, 0)),
            pl.BlockSpec((BT, DEGW), lambda i: (i, 0)),
            pl.BlockSpec((1, H), lambda i: (0, 0)),
            pl.BlockSpec((H, H), lambda i: (0, 0)),
            pl.BlockSpec((1, H), lambda i: (0, 0)),
            pl.BlockSpec((H, H), lambda i: (0, 0)),
            pl.BlockSpec((1, H), lambda i: (0, 0)),
            pl.BlockSpec((H, 8), lambda i: (0, 0)),
            pl.BlockSpec((1, 8), lambda i: (0, 0)),
        ],
        out_specs=pl.BlockSpec((BT, 8), lambda i: (i, 0)),
        out_shape=jax.ShapeDtypeStruct((N_NODES, 8), jnp.float32),
    )(aggp, hs2, dinvb, b2r, lw1t, lb1r, lw2t, lb2r, lw3t8, lb38)


def _layout_agg_edges(v, fill):
    pad = E_PAD - v.shape[0]
    return jnp.concatenate(
        [v, jnp.full((pad,), fill, v.dtype)]).reshape(NW, NCHUNK, CH)


def kernel(x, edge_index, W1, b1, W2, b2, lw1, lb1, lw2, lb2, lw3, lb3):
    src = edge_index[0]
    dst = edge_index[1]
    srcr = _layout_agg_edges(src, 0)
    dstr = _layout_agg_edges(dst, N_NODES)

    degp = _sc_deg(dstr)
    hs1, dinvb = _tc_hs1(x, W1.T, degp)
    agg1 = _sc_agg(hs1, srcr, dstr)
    hs2 = _tc_mid(agg1, hs1, dinvb, b1.reshape(1, H), W2.T)
    agg2 = _sc_agg(hs2, srcr, dstr)
    lw3t8 = jnp.concatenate([lw3.T, jnp.zeros((H, 7), jnp.float32)], axis=1)
    lb38 = jnp.concatenate([lb3, jnp.zeros((7,), jnp.float32)]).reshape(1, 8)
    y8 = _tc_head(agg2, hs2, dinvb, b2.reshape(1, H), lw1.T,
                  lb1.reshape(1, H), lw2.T, lb2.reshape(1, H), lw3t8, lb38)
    return y8[:, 0:1]

# --- scband reference (transcript-rebuilt; emitter-appended) ---
"""Pipeline reference for scband-simple-gcn-59227599011900 (READ-ONLY COPY).

The authoritative reference and input builder live on the scoring server;
editing this copy changes nothing except your own understanding.
"""

import jax, jax.numpy as jnp
import numpy as np

N = 10000
E = 320000
D = 128
H = 128


def setup_inputs(seed: int = 0) -> dict:
    key = jax.random.key(seed)
    ks = jax.random.split(key, 12)
    x = jax.random.normal(ks[0], (N, D), dtype=jnp.float32)
    edge_index = jax.random.randint(ks[1], (2, E), 0, N, dtype=jnp.int32)
    s = 0.05
    W1 = jax.random.normal(ks[2], (H, D), dtype=jnp.float32) * s
    b1 = jnp.zeros((H,), dtype=jnp.float32)
    W2 = jax.random.normal(ks[3], (H, H), dtype=jnp.float32) * s
    b2 = jnp.zeros((H,), dtype=jnp.float32)
    lw1 = jax.random.normal(ks[4], (H, H), dtype=jnp.float32) * s
    lb1 = jnp.zeros((H,), dtype=jnp.float32)
    lw2 = jax.random.normal(ks[5], (H, H), dtype=jnp.float32) * s
    lb2 = jnp.zeros((H,), dtype=jnp.float32)
    lw3 = jax.random.normal(ks[6], (1, H), dtype=jnp.float32) * s
    lb3 = jnp.zeros((1,), dtype=jnp.float32)
    return {"x": x, "edge_index": edge_index, "W1": W1, "b1": b1, "W2": W2, "b2": b2,
            "lw1": lw1, "lb1": lb1, "lw2": lw2, "lb2": lb2, "lw3": lw3, "lb3": lb3}


def _gcn_conv(x, src, dst, W, b, n):
    # GCNConv: x' = D^{-1/2} (A + I) D^{-1/2} (x W^T) + b
    h = x @ W.T
    si = jnp.arange(n, dtype=src.dtype)
    src2 = jnp.concatenate([src, si])
    dst2 = jnp.concatenate([dst, si])
    deg = jnp.zeros((n,), dtype=h.dtype).at[dst2].add(1.0)
    dinv = jnp.where(deg > 0, 1.0 / jnp.sqrt(deg), 0.0)
    norm = dinv[src2] * dinv[dst2]
    msg = h[src2] * norm[:, None]
    out = jax.ops.segment_sum(msg, dst2, num_segments=n)
    return out + b


def reference(x, edge_index, W1, b1, W2, b2, lw1, lb1, lw2, lb2, lw3, lb3):
    src = edge_index[0]
    dst = edge_index[1]
    n = x.shape[0]
    h = jax.nn.relu(_gcn_conv(x, src, dst, W1, b1, n))
    h = jax.nn.relu(_gcn_conv(h, src, dst, W2, b2, n))
    # subplan_ests head: per-node MLP
    h = jax.nn.relu(h @ lw1.T + lb1)
    h = jax.nn.relu(h @ lw2.T + lb2)
    out = h @ lw3.T + lb3
    return out

if __name__ == "__main__":
    import jax
    _d = setup_inputs()
    print(jax.jit(kernel)(*tuple(_d.values())))

</pallas_src>

<mosaic_0001>
#map = affine_map<(d0, d1) -> (0, 0, 0)>
module attributes {stable_mosaic.version = 14 : i64} {
  func.func @k(%arg0: i32, %arg1: i32, %arg2: memref<32x79x128xi32, #tpu.memory_space<hbm>>, %arg3: memref<2x10240x128xf32, #tpu.memory_space<hbm>>, %arg4: memref<128xi32, #tpu.memory_space<vmem>>, %arg5: memref<128x128xf32, #tpu.memory_space<vmem>>, %arg6: memref<10240x128xf32, #tpu.memory_space<vmem_shared>>) attributes {dimension_semantics = [#tpu.dimension_semantics<core_parallel>, #tpu.dimension_semantics<subcore_parallel>], iteration_bounds = array<i64: 2, 16>, scalar_prefetch = 0 : i64, scratch_operands = 3 : i64, tpu.core_type = #tpu.core_type<sc_vector_subcore>, window_params = [{transform_indices = #map}, {transform_indices = #map}]} {
    %mul3A = arith.constant 16 : i32
    %mul3A_0 = arith.muli %arg0, %mul3A : i32
    %add3A = arith.addi %mul3A_0, %arg1 : i32
    %scan3A = arith.constant 0 : i32
    %scan3A_1 = arith.constant 0 : i32
    %scan3A_2 = arith.constant 128 : i32
    %scan3A_3 = arith.addi %scan3A_1, %scan3A_2 : i32
    %scan3A_4 = arith.constant 1 : i32
    scf.for %scan3A_31 = %scan3A_1 to %scan3A_3 step %scan3A_4  : i32 {
      %broadcast_in_dim3A = arith.constant 0.000000e+00 : f32
      %broadcast_in_dim3A_32 = vector.broadcast %broadcast_in_dim3A : f32 to vector<16xf32>
      %swap3A = arith.index_cast %scan3A_31 : i32 to index
      %swap3A_33 = arith.constant 0 : index
      %swap3A_34 = tpu.vector_load %arg5[%swap3A, %swap3A_33] {strides = array<i32>} : memref<128x128xf32, #tpu.memory_space<vmem>>, vector<1x16xf32>,
      %swap3A_35 = vector.shape_cast %swap3A_34 : vector<1x16xf32> to vector<16xf32>
      %swap3A_36 = vector.shape_cast %broadcast_in_dim3A_32 : vector<16xf32> to vector<1x16xf32>
      tpu.vector_store %arg5[%swap3A, %swap3A_33], %swap3A_36 {strides = array<i32>} : memref<128x128xf32, #tpu.memory_space<vmem>>, vector<1x16xf32>,
      %broadcast_in_dim3A_37 = arith.constant 0.000000e+00 : f32
      %broadcast_in_dim3A_38 = vector.broadcast %broadcast_in_dim3A_37 : f32 to vector<16xf32>
      %swap3A_39 = arith.index_cast %scan3A_31 : i32 to index
      %swap3A_40 = arith.constant 16 : index
      %swap3A_41 = tpu.vector_load %arg5[%swap3A_39, %swap3A_40] {strides = array<i32>} : memref<128x128xf32, #tpu.memory_space<vmem>>, vector<1x16xf32>,
      %swap3A_42 = vector.shape_cast %swap3A_41 : vector<1x16xf32> to vector<16xf32>
      %swap3A_43 = vector.shape_cast %broadcast_in_dim3A_38 : vector<16xf32> to vector<1x16xf32>
      tpu.vector_store %arg5[%swap3A_39, %swap3A_40], %swap3A_43 {strides = array<i32>} : memref<128x128xf32, #tpu.memory_space<vmem>>, vector<1x16xf32>,
      %broadcast_in_dim3A_44 = arith.constant 0.000000e+00 : f32
      %broadcast_in_dim3A_45 = vector.broadcast %broadcast_in_dim3A_44 : f32 to vector<16xf32>
      %swap3A_46 = arith.index_cast %scan3A_31 : i32 to index
      %swap3A_47 = arith.constant 32 : index
      %swap3A_48 = tpu.vector_load %arg5[%swap3A_46, %swap3A_47] {strides = array<i32>} : memref<128x128xf32, #tpu.memory_space<vmem>>, vector<1x16xf32>,
      %swap3A_49 = vector.shape_cast %swap3A_48 : vector<1x16xf32> to vector<16xf32>
      %swap3A_50 = vector.shape_cast %broadcast_in_dim3A_45 : vector<16xf32> to vector<1x16xf32>
      tpu.vector_store %arg5[%swap3A_46, %swap3A_47], %swap3A_50 {strides = array<i32>} : memref<128x128xf32, #tpu.memory_space<vmem>>, vector<1x16xf32>,
      %broadcast_in_dim3A_51 = arith.constant 0.000000e+00 : f32
      %broadcast_in_dim3A_52 = vector.broadcast %broadcast_in_dim3A_51 : f32 to vector<16xf32>
      %swap3A_53 = arith.index_cast %scan3A_31 : i32 to index
      %swap3A_54 = arith.constant 48 : index
      %swap3A_55 = tpu.vector_load %arg5[%swap3A_53, %swap3A_54] {strides = array<i32>} : memref<128x128xf32, #tpu.memory_space<vmem>>, vector<1x16xf32>,
      %swap3A_56 = vector.shape_cast %swap3A_55 : vector<1x16xf32> to vector<16xf32>
      %swap3A_57 = vector.shape_cast %broadcast_in_dim3A_52 : vector<16xf32> to vector<1x16xf32>
      tpu.vector_store %arg5[%swap3A_53, %swap3A_54], %swap3A_57 {strides = array<i32>} : memref<128x128xf32, #tpu.memory_space<vmem>>, vector<1x16xf32>,
      %broadcast_in_dim3A_58 = arith.constant 0.000000e+00 : f32
      %broadcast_in_dim3A_59 = vector.broadcast %broadcast_in_dim3A_58 : f32 to vector<16xf32>
      %swap3A_60 = arith.index_cast %scan3A_31 : i32 to index
      %swap3A_61 = arith.constant 64 : index
      %swap3A_62 = tpu.vector_load %arg5[%swap3A_60, %swap3A_61] {strides = array<i32>} : memref<128x128xf32, #tpu.memory_space<vmem>>, vector<1x16xf32>,
      %swap3A_63 = vector.shape_cast %swap3A_62 : vector<1x16xf32> to vector<16xf32>
      %swap3A_64 = vector.shape_cast %broadcast_in_dim3A_59 : vector<16xf32> to vector<1x16xf32>
      tpu.vector_store %arg5[%swap3A_60, %swap3A_61], %swap3A_64 {strides = array<i32>} : memref<128x128xf32, #tpu.memory_space<vmem>>, vector<1x16xf32>,
      %broadcast_in_dim3A_65 = arith.constant 0.000000e+00 : f32
      %broadcast_in_dim3A_66 = vector.broadcast %broadcast_in_dim3A_65 : f32 to vector<16xf32>
      %swap3A_67 = arith.index_cast %scan3A_31 : i32 to index
      %swap3A_68 = arith.constant 80 : index
      %swap3A_69 = tpu.vector_load %arg5[%swap3A_67, %swap3A_68] {strides = array<i32>} : memref<128x128xf32, #tpu.memory_space<vmem>>, vector<1x16xf32>,
      %swap3A_70 = vector.shape_cast %swap3A_69 : vector<1x16xf32> to vector<16xf32>
      %swap3A_71 = vector.shape_cast %broadcast_in_dim3A_66 : vector<16xf32> to vector<1x16xf32>
      tpu.vector_store %arg5[%swap3A_67, %swap3A_68], %swap3A_71 {strides = array<i32>} : memref<128x128xf32, #tpu.memory_space<vmem>>, vector<1x16xf32>,
      %broadcast_in_dim3A_72 = arith.constant 0.000000e+00 : f32
      %broadcast_in_dim3A_73 = vector.broadcast %broadcast_in_dim3A_72 : f32 to vector<16xf32>
      %swap3A_74 = arith.index_cast %scan3A_31 : i32 to index
      %swap3A_75 = arith.constant 96 : index
      %swap3A_76 = tpu.vector_load %arg5[%swap3A_74, %swap3A_75] {strides = array<i32>} : memref<128x128xf32, #tpu.memory_space<vmem>>, vector<1x16xf32>,
      %swap3A_77 = vector.shape_cast %swap3A_76 : vector<1x16xf32> to vector<16xf32>
      %swap3A_78 = vector.shape_cast %broadcast_in_dim3A_73 : vector<16xf32> to vector<1x16xf32>
      tpu.vector_store %arg5[%swap3A_74, %swap3A_75], %swap3A_78 {strides = array<i32>} : memref<128x128xf32, #tpu.memory_space<vmem>>, vector<1x16xf32>,
      %broadcast_in_dim3A_79 = arith.constant 0.000000e+00 : f32
      %broadcast_in_dim3A_80 = vector.broadcast %broadcast_in_dim3A_79 : f32 to vector<16xf32>
      %swap3A_81 = arith.index_cast %scan3A_31 : i32 to index
      %swap3A_82 = arith.constant 112 : index
      %swap3A_83 = tpu.vector_load %arg5[%swap3A_81, %swap3A_82] {strides = array<i32>} : memref<128x128xf32, #tpu.memory_space<vmem>>, vector<1x16xf32>,
      %swap3A_84 = vector.shape_cast %swap3A_83 : vector<1x16xf32> to vector<16xf32>
      %swap3A_85 = vector.shape_cast %broadcast_in_dim3A_80 : vector<16xf32> to vector<1x16xf32>
      tpu.vector_store %arg5[%swap3A_81, %swap3A_82], %swap3A_85 {strides = array<i32>} : memref<128x128xf32, #tpu.memory_space<vmem>>, vector<1x16xf32>,
    }
    %scan3A_5 = arith.constant 128 : i32
    %mul3A_6 = arith.constant 640 : i32
    %mul3A_7 = arith.muli %arg1, %mul3A_6 : i32
    %add3A_8 = arith.constant 0 : i32
    %add3A_9 = arith.addi %mul3A_7, %add3A_8 : i32
    "tpu.region"() ({
      %run_scoped3A = tpu.sem_alloc : memref<!tpu.dma_semaphore, #tpu.memory_space<semaphore_mem>>
      %dma_start3A = arith.constant 0 : i32
      %dma_start3A_31 = tpu.memref_slice %arg6[%add3A_9, %dma_start3A] : memref<10240x128xf32, #tpu.memory_space<vmem_shared>> -> memref<128x128xf32, #tpu.memory_space<vmem_shared>>
      %dma_start3A_32 = arith.constant 0 : i32
      %dma_start3A_33 = tpu.memref_slice %arg6[%add3A_9, %dma_start3A_32] : memref<10240x128xf32, #tpu.memory_space<vmem_shared>> -> memref<128x128xf32, #tpu.memory_space<vmem_shared>>
      tpu.enqueue_dma source(%arg5 : memref<128x128xf32, #tpu.memory_space<vmem>>) target(%dma_start3A_33 : memref<128x128xf32, #tpu.memory_space<vmem_shared>>) target_semaphore(%run_scoped3A : memref<!tpu.dma_semaphore, #tpu.memory_space<semaphore_mem>>)
      %dma_wait3A = arith.constant 0 : i32
      %dma_wait3A_34 = tpu.memref_slice %arg6[%add3A_9, %dma_wait3A] : memref<10240x128xf32, #tpu.memory_space<vmem_shared>> -> memref<128x128xf32, #tpu.memory_space<vmem_shared>>
      %dma_wait3A_35 = arith.constant 0 : i32
      %dma_wait3A_36 = tpu.memref_slice %arg6[%add3A_9, %dma_wait3A_35] : memref<10240x128xf32, #tpu.memory_space<vmem_shared>> -> memref<128x128xf32, #tpu.memory_space<vmem_shared>>
      tpu.wait_dma2 semaphore(%run_scoped3A : memref<!tpu.dma_semaphore, #tpu.memory_space<semaphore_mem>>) src(%arg5 : memref<128x128xf32, #tpu.memory_space<vmem>>) dst(%dma_wait3A_36 : memref<128x128xf32, #tpu.memory_space<vmem_shared>>)
      tpu.yield
    }) : () -> ()
    %add3A_10 = arith.constant 128 : i32
    %add3A_11 = arith.addi %mul3A_7, %add3A_10 : i32
    "tpu.region"() ({
      %run_scoped3A = tpu.sem_alloc : memref<!tpu.dma_semaphore, #tpu.memory_space<semaphore_mem>>
      %dma_start3A = arith.constant 0 : i32
      %dma_start3A_31 = tpu.memref_slice %arg6[%add3A_11, %dma_start3A] : memref<10240x128xf32, #tpu.memory_space<vmem_shared>> -> memref<128x128xf32, #tpu.memory_space<vmem_shared>>
      %dma_start3A_32 = arith.constant 0 : i32
      %dma_start3A_33 = tpu.memref_slice %arg6[%add3A_11, %dma_start3A_32] : memref<10240x128xf32, #tpu.memory_space<vmem_shared>> -> memref<128x128xf32, #tpu.memory_space<vmem_shared>>
      tpu.enqueue_dma source(%arg5 : memref<128x128xf32, #tpu.memory_space<vmem>>) target(%dma_start3A_33 : memref<128x128xf32, #tpu.memory_space<vmem_shared>>) target_semaphore(%run_scoped3A : memref<!tpu.dma_semaphore, #tpu.memory_space<semaphore_mem>>)
      %dma_wait3A = arith.constant 0 : i32
      %dma_wait3A_34 = tpu.memref_slice %arg6[%add3A_11, %dma_wait3A] : memref<10240x128xf32, #tpu.memory_space<vmem_shared>> -> memref<128x128xf32, #tpu.memory_space<vmem_shared>>
      %dma_wait3A_35 = arith.constant 0 : i32
      %dma_wait3A_36 = tpu.memref_slice %arg6[%add3A_11, %dma_wait3A_35] : memref<10240x128xf32, #tpu.memory_space<vmem_shared>> -> memref<128x128xf32, #tpu.memory_space<vmem_shared>>
      tpu.wait_dma2 semaphore(%run_scoped3A : memref<!tpu.dma_semaphore, #tpu.memory_space<semaphore_mem>>) src(%arg5 : memref<128x128xf32, #tpu.memory_space<vmem>>) dst(%dma_wait3A_36 : memref<128x128xf32, #tpu.memory_space<vmem_shared>>)
      tpu.yield
    }) : () -> ()
    %add3A_12 = arith.constant 256 : i32
    %add3A_13 = arith.addi %mul3A_7, %add3A_12 : i32
    "tpu.region"() ({
      %run_scoped3A = tpu.sem_alloc : memref<!tpu.dma_semaphore, #tpu.memory_space<semaphore_mem>>
      %dma_start3A = arith.constant 0 : i32
      %dma_start3A_31 = tpu.memref_slice %arg6[%add3A_13, %dma_start3A] : memref<10240x128xf32, #tpu.memory_space<vmem_shared>> -> memref<128x128xf32, #tpu.memory_space<vmem_shared>>
      %dma_start3A_32 = arith.constant 0 : i32
      %dma_start3A_33 = tpu.memref_slice %arg6[%add3A_13, %dma_start3A_32] : memref<10240x128xf32, #tpu.memory_space<vmem_shared>> -> memref<128x128xf32, #tpu.memory_space<vmem_shared>>
      tpu.enqueue_dma source(%arg5 : memref<128x128xf32, #tpu.memory_space<vmem>>) target(%dma_start3A_33 : memref<128x128xf32, #tpu.memory_space<vmem_shared>>) target_semaphore(%run_scoped3A : memref<!tpu.dma_semaphore, #tpu.memory_space<semaphore_mem>>)
      %dma_wait3A = arith.constant 0 : i32
      %dma_wait3A_34 = tpu.memref_slice %arg6[%add3A_13, %dma_wait3A] : memref<10240x128xf32, #tpu.memory_space<vmem_shared>> -> memref<128x128xf32, #tpu.memory_space<vmem_shared>>
      %dma_wait3A_35 = arith.constant 0 : i32
      %dma_wait3A_36 = tpu.memref_slice %arg6[%add3A_13, %dma_wait3A_35] : memref<10240x128xf32, #tpu.memory_space<vmem_shared>> -> memref<128x128xf32, #tpu.memory_space<vmem_shared>>
      tpu.wait_dma2 semaphore(%run_scoped3A : memref<!tpu.dma_semaphore, #tpu.memory_space<semaphore_mem>>) src(%arg5 : memref<128x128xf32, #tpu.memory_space<vmem>>) dst(%dma_wait3A_36 : memref<128x128xf32, #tpu.memory_space<vmem_shared>>)
      tpu.yield
    }) : () -> ()
    %add3A_14 = arith.constant 384 : i32
    %add3A_15 = arith.addi %mul3A_7, %add3A_14 : i32
    "tpu.region"() ({
      %run_scoped3A = tpu.sem_alloc : memref<!tpu.dma_semaphore, #tpu.memory_space<semaphore_mem>>
      %dma_start3A = arith.constant 0 : i32
      %dma_start3A_31 = tpu.memref_slice %arg6[%add3A_15, %dma_start3A] : memref<10240x128xf32, #tpu.memory_space<vmem_shared>> -> memref<128x128xf32, #tpu.memory_space<vmem_shared>>
      %dma_start3A_32 = arith.constant 0 : i32
      %dma_start3A_33 = tpu.memref_slice %arg6[%add3A_15, %dma_start3A_32] : memref<10240x128xf32, #tpu.memory_space<vmem_shared>> -> memref<128x128xf32, #tpu.memory_space<vmem_shared>>
      tpu.enqueue_dma source(%arg5 : memref<128x128xf32, #tpu.memory_space<vmem>>) target(%dma_start3A_33 : memref<128x128xf32, #tpu.memory_space<vmem_shared>>) target_semaphore(%run_scoped3A : memref<!tpu.dma_semaphore, #tpu.memory_space<semaphore_mem>>)
      %dma_wait3A = arith.constant 0 : i32
      %dma_wait3A_34 = tpu.memref_slice %arg6[%add3A_15, %dma_wait3A] : memref<10240x128xf32, #tpu.memory_space<vmem_shared>> -> memref<128x128xf32, #tpu.memory_space<vmem_shared>>
      %dma_wait3A_35 = arith.constant 0 : i32
      %dma_wait3A_36 = tpu.memref_slice %arg6[%add3A_15, %dma_wait3A_35] : memref<10240x128xf32, #tpu.memory_space<vmem_shared>> -> memref<128x128xf32, #tpu.memory_space<vmem_shared>>
      tpu.wait_dma2 semaphore(%run_scoped3A : memref<!tpu.dma_semaphore, #tpu.memory_space<semaphore_mem>>) src(%arg5 : memref<128x128xf32, #tpu.memory_space<vmem>>) dst(%dma_wait3A_36 : memref<128x128xf32, #tpu.memory_space<vmem_shared>>)
      tpu.yield
    }) : () -> ()
    %add3A_16 = arith.constant 512 : i32
    %add3A_17 = arith.addi %mul3A_7, %add3A_16 : i32
    "tpu.region"() ({
      %run_scoped3A = tpu.sem_alloc : memref<!tpu.dma_semaphore, #tpu.memory_space<semaphore_mem>>
      %dma_start3A = arith.constant 0 : i32
      %dma_start3A_31 = tpu.memref_slice %arg6[%add3A_17, %dma_start3A] : memref<10240x128xf32, #tpu.memory_space<vmem_shared>> -> memref<128x128xf32, #tpu.memory_space<vmem_shared>>
      %dma_start3A_32 = arith.constant 0 : i32
      %dma_start3A_33 = tpu.memref_slice %arg6[%add3A_17, %dma_start3A_32] : memref<10240x128xf32, #tpu.memory_space<vmem_shared>> -> memref<128x128xf32, #tpu.memory_space<vmem_shared>>
      tpu.enqueue_dma source(%arg5 : memref<128x128xf32, #tpu.memory_space<vmem>>) target(%dma_start3A_33 : memref<128x128xf32, #tpu.memory_space<vmem_shared>>) target_semaphore(%run_scoped3A : memref<!tpu.dma_semaphore, #tpu.memory_space<semaphore_mem>>)
      %dma_wait3A = arith.constant 0 : i32
      %dma_wait3A_34 = tpu.memref_slice %arg6[%add3A_17, %dma_wait3A] : memref<10240x128xf32, #tpu.memory_space<vmem_shared>> -> memref<128x128xf32, #tpu.memory_space<vmem_shared>>
      %dma_wait3A_35 = arith.constant 0 : i32
      %dma_wait3A_36 = tpu.memref_slice %arg6[%add3A_17, %dma_wait3A_35] : memref<10240x128xf32, #tpu.memory_space<vmem_shared>> -> memref<128x128xf32, #tpu.memory_space<vmem_shared>>
      tpu.wait_dma2 semaphore(%run_scoped3A : memref<!tpu.dma_semaphore, #tpu.memory_space<semaphore_mem>>) src(%arg5 : memref<128x128xf32, #tpu.memory_space<vmem>>) dst(%dma_wait3A_36 : memref<128x128xf32, #tpu.memory_space<vmem_shared>>)
      tpu.yield
    }) : () -> ()
    %scan3A_18 = arith.constant 0 : i32
    %scan3A_19 = arith.constant 0 : i32
    %scan3A_20 = arith.constant 128 : i32
    %scan3A_21 = arith.addi %scan3A_19, %scan3A_20 : i32
    %scan3A_22 = arith.constant 1 : i32
    scf.for %scan3A_31 = %scan3A_19 to %scan3A_21 step %scan3A_22  : i32 {
      %broadcast_in_dim3A = arith.constant 1.000000e+00 : f32
      %broadcast_in_dim3A_32 = vector.broadcast %broadcast_in_dim3A : f32 to vector<16xf32>
      %swap3A = arith.index_cast %scan3A_31 : i32 to index
      %swap3A_33 = arith.constant 0 : index
      %swap3A_34 = tpu.vector_load %arg5[%swap3A, %swap3A_33] {strides = array<i32>} : memref<128x128xf32, #tpu.memory_space<vmem>>, vector<1x16xf32>,
      %swap3A_35 = vector.shape_cast %swap3A_34 : vector<1x16xf32> to vector<16xf32>
      %swap3A_36 = vector.shape_cast %broadcast_in_dim3A_32 : vector<16xf32> to vector<1x16xf32>
      tpu.vector_store %arg5[%swap3A, %swap3A_33], %swap3A_36 {strides = array<i32>} : memref<128x128xf32, #tpu.memory_space<vmem>>, vector<1x16xf32>,
      %broadcast_in_dim3A_37 = arith.constant 1.000000e+00 : f32
      %broadcast_in_dim3A_38 = vector.broadcast %broadcast_in_dim3A_37 : f32 to vector<16xf32>
      %swap3A_39 = arith.index_cast %scan3A_31 : i32 to index
      %swap3A_40 = arith.constant 16 : index
      %swap3A_41 = tpu.vector_load %arg5[%swap3A_39, %swap3A_40] {strides = array<i32>} : memref<128x128xf32, #tpu.memory_space<vmem>>, vector<1x16xf32>,
      %swap3A_42 = vector.shape_cast %swap3A_41 : vector<1x16xf32> to vector<16xf32>
      %swap3A_43 = vector.shape_cast %broadcast_in_dim3A_38 : vector<16xf32> to vector<1x16xf32>
      tpu.vector_store %arg5[%swap3A_39, %swap3A_40], %swap3A_43 {strides = array<i32>} : memref<128x128xf32, #tpu.memory_space<vmem>>, vector<1x16xf32>,
      %broadcast_in_dim3A_44 = arith.constant 1.000000e+00 : f32
      %broadcast_in_dim3A_45 = vector.broadcast %broadcast_in_dim3A_44 : f32 to vector<16xf32>
      %swap3A_46 = arith.index_cast %scan3A_31 : i32 to index
      %swap3A_47 = arith.constant 32 : index
      %swap3A_48 = tpu.vector_load %arg5[%swap3A_46, %swap3A_47] {strides = array<i32>} : memref<128x128xf32, #tpu.memory_space<vmem>>, vector<1x16xf32>,
      %swap3A_49 = vector.shape_cast %swap3A_48 : vector<1x16xf32> to vector<16xf32>
      %swap3A_50 = vector.shape_cast %broadcast_in_dim3A_45 : vector<16xf32> to vector<1x16xf32>
      tpu.vector_store %arg5[%swap3A_46, %swap3A_47], %swap3A_50 {strides = array<i32>} : memref<128x128xf32, #tpu.memory_space<vmem>>, vector<1x16xf32>,
      %broadcast_in_dim3A_51 = arith.constant 1.000000e+00 : f32
      %broadcast_in_dim3A_52 = vector.broadcast %broadcast_in_dim3A_51 : f32 to vector<16xf32>
      %swap3A_53 = arith.index_cast %scan3A_31 : i32 to index
      %swap3A_54 = arith.constant 48 : index
      %swap3A_55 = tpu.vector_load %arg5[%swap3A_53, %swap3A_54] {strides = array<i32>} : memref<128x128xf32, #tpu.memory_space<vmem>>, vector<1x16xf32>,
      %swap3A_56 = vector.shape_cast %swap3A_55 : vector<1x16xf32> to vector<16xf32>
      %swap3A_57 = vector.shape_cast %broadcast_in_dim3A_52 : vector<16xf32> to vector<1x16xf32>
      tpu.vector_store %arg5[%swap3A_53, %swap3A_54], %swap3A_57 {strides = array<i32>} : memref<128x128xf32, #tpu.memory_space<vmem>>, vector<1x16xf32>,
      %broadcast_in_dim3A_58 = arith.constant 1.000000e+00 : f32
      %broadcast_in_dim3A_59 = vector.broadcast %broadcast_in_dim3A_58 : f32 to vector<16xf32>
      %swap3A_60 = arith.index_cast %scan3A_31 : i32 to index
      %swap3A_61 = arith.constant 64 : index
      %swap3A_62 = tpu.vector_load %arg5[%swap3A_60, %swap3A_61] {strides = array<i32>} : memref<128x128xf32, #tpu.memory_space<vmem>>, vector<1x16xf32>,
      %swap3A_63 = vector.shape_cast %swap3A_62 : vector<1x16xf32> to vector<16xf32>
      %swap3A_64 = vector.shape_cast %broadcast_in_dim3A_59 : vector<16xf32> to vector<1x16xf32>
      tpu.vector_store %arg5[%swap3A_60, %swap3A_61], %swap3A_64 {strides = array<i32>} : memref<128x128xf32, #tpu.memory_space<vmem>>, vector<1x16xf32>,
      %broadcast_in_dim3A_65 = arith.constant 1.000000e+00 : f32
      %broadcast_in_dim3A_66 = vector.broadcast %broadcast_in_dim3A_65 : f32 to vector<16xf32>
      %swap3A_67 = arith.index_cast %scan3A_31 : i32 to index
      %swap3A_68 = arith.constant 80 : index
      %swap3A_69 = tpu.vector_load %arg5[%swap3A_67, %swap3A_68] {strides = array<i32>} : memref<128x128xf32, #tpu.memory_space<vmem>>, vector<1x16xf32>,
      %swap3A_70 = vector.shape_cast %swap3A_69 : vector<1x16xf32> to vector<16xf32>
      %swap3A_71 = vector.shape_cast %broadcast_in_dim3A_66 : vector<16xf32> to vector<1x16xf32>
      tpu.vector_store %arg5[%swap3A_67, %swap3A_68], %swap3A_71 {strides = array<i32>} : memref<128x128xf32, #tpu.memory_space<vmem>>, vector<1x16xf32>,
      %broadcast_in_dim3A_72 = arith.constant 1.000000e+00 : f32
      %broadcast_in_dim3A_73 = vector.broadcast %broadcast_in_dim3A_72 : f32 to vector<16xf32>
      %swap3A_74 = arith.index_cast %scan3A_31 : i32 to index
      %swap3A_75 = arith.constant 96 : index
      %swap3A_76 = tpu.vector_load %arg5[%swap3A_74, %swap3A_75] {strides = array<i32>} : memref<128x128xf32, #tpu.memory_space<vmem>>, vector<1x16xf32>,
      %swap3A_77 = vector.shape_cast %swap3A_76 : vector<1x16xf32> to vector<16xf32>
      %swap3A_78 = vector.shape_cast %broadcast_in_dim3A_73 : vector<16xf32> to vector<1x16xf32>
      tpu.vector_store %arg5[%swap3A_74, %swap3A_75], %swap3A_78 {strides = array<i32>} : memref<128x128xf32, #tpu.memory_space<vmem>>, vector<1x16xf32>,
      %broadcast_in_dim3A_79 = arith.constant 1.000000e+00 : f32
      %broadcast_in_dim3A_80 = vector.broadcast %broadcast_in_dim3A_79 : f32 to vector<16xf32>
      %swap3A_81 = arith.index_cast %scan3A_31 : i32 to index
      %swap3A_82 = arith.constant 112 : index
      %swap3A_83 = tpu.vector_load %arg5[%swap3A_81, %swap3A_82] {strides = array<i32>} : memref<128x128xf32, #tpu.memory_space<vmem>>, vector<1x16xf32>,
      %swap3A_84 = vector.shape_cast %swap3A_83 : vector<1x16xf32> to vector<16xf32>
      %swap3A_85 = vector.shape_cast %broadcast_in_dim3A_80 : vector<16xf32> to vector<1x16xf32>
      tpu.vector_store %arg5[%swap3A_81, %swap3A_82], %swap3A_85 {strides = array<i32>} : memref<128x128xf32, #tpu.memory_space<vmem>>, vector<1x16xf32>,
    }
    %scan3A_23 = arith.constant 128 : i32
    %barrier3A = arith.constant 0 : index
    tpu.barrier barrier_id(%barrier3A)
    %scan3A_24 = arith.constant 0 : i32
    %scan3A_25 = arith.constant 0 : i32
    %scan3A_26 = arith.constant 79 : i32
    %scan3A_27 = arith.addi %scan3A_25, %scan3A_26 : i32
    %scan3A_28 = arith.constant 1 : i32
    scf.for %scan3A_31 = %scan3A_25 to %scan3A_27 step %scan3A_28  : i32 {
      "tpu.region"() ({
        %run_scoped3A = tpu.sem_alloc : memref<!tpu.dma_semaphore, #tpu.memory_space<semaphore_mem>>
        %dma_start3A = arith.constant 0 : i32
        %dma_start3A_32 = tpu.memref_slice %arg2[%add3A, %scan3A_31, %dma_start3A] : memref<32x79x128xi32, #tpu.memory_space<hbm>> -> memref<1x1x128xi32, #tpu.memory_space<hbm>>
        %dma_start3A_33 = tpu.memref_squeeze %dma_start3A_32 : memref<1x1x128xi32, #tpu.memory_space<hbm>> -> memref<128xi32, #tpu.memory_space<hbm>>
        %dma_start3A_34 = arith.constant 0 : i32
        %dma_start3A_35 = tpu.memref_slice %arg2[%add3A, %scan3A_31, %dma_start3A_34] : memref<32x79x128xi32, #tpu.memory_space<hbm>> -> memref<1x1x128xi32, #tpu.memory_space<hbm>>
        %dma_start3A_36 = tpu.memref_squeeze %dma_start3A_35 : memref<1x1x128xi32, #tpu.memory_space<hbm>> -> memref<128xi32, #tpu.memory_space<hbm>>
        tpu.enqueue_dma source(%dma_start3A_36 : memref<128xi32, #tpu.memory_space<hbm>>) target(%arg4 : memref<128xi32, #tpu.memory_space<vmem>>) target_semaphore(%run_scoped3A : memref<!tpu.dma_semaphore, #tpu.memory_space<semaphore_mem>>)
        %dma_wait3A = arith.constant 0 : i32
        %dma_wait3A_37 = tpu.memref_slice %arg2[%add3A, %scan3A_31, %dma_wait3A] : memref<32x79x128xi32, #tpu.memory_space<hbm>> -> memref<1x1x128xi32, #tpu.memory_space<hbm>>
        %dma_wait3A_38 = tpu.memref_squeeze %dma_wait3A_37 : memref<1x1x128xi32, #tpu.memory_space<hbm>> -> memref<128xi32, #tpu.memory_space<hbm>>
        %dma_wait3A_39 = arith.constant 0 : i32
        %dma_wait3A_40 = tpu.memref_slice %arg2[%add3A, %scan3A_31, %dma_wait3A_39] : memref<32x79x128xi32, #tpu.memory_space<hbm>> -> memref<1x1x128xi32, #tpu.memory_space<hbm>>
        %dma_wait3A_41 = tpu.memref_squeeze %dma_wait3A_40 : memref<1x1x128xi32, #tpu.memory_space<hbm>> -> memref<128xi32, #tpu.memory_space<hbm>>
        tpu.wait_dma2 semaphore(%run_scoped3A : memref<!tpu.dma_semaphore, #tpu.memory_space<semaphore_mem>>) src(%dma_wait3A_41 : memref<128xi32, #tpu.memory_space<hbm>>) dst(%arg4 : memref<128xi32, #tpu.memory_space<vmem>>)
        tpu.yield
      }) : () -> ()
      "tpu.region"() ({
        %run_scoped3A = tpu.sem_alloc : memref<!tpu.dma_semaphore, #tpu.memory_space<semaphore_mem>>
        %dma_start3A = arith.constant 0 : i32
        %dma_start3A_32 = arith.constant 0 : i32
        %dma_start3A_33 = tpu.memref_slice %arg6[%dma_start3A, %dma_start3A_32] : memref<10240x128xf32, #tpu.memory_space<vmem_shared>> -> memref<10240x128xf32, #tpu.memory_space<vmem_shared>>
        tpu.enqueue_indirect_dma source(%arg5 : memref<128x128xf32, #tpu.memory_space<vmem>>) target(%dma_start3A_33 : memref<10240x128xf32, #tpu.memory_space<vmem_shared>>) offsets(%arg4 : memref<128xi32, #tpu.memory_space<vmem>>) semaphore(%run_scoped3A : memref<!tpu.dma_semaphore, #tpu.memory_space<semaphore_mem>>) {add = true}
        %dma_wait3A = arith.constant 0 : i32
        %dma_wait3A_34 = arith.constant 0 : i32
        %dma_wait3A_35 = tpu.memref_slice %arg6[%dma_wait3A, %dma_wait3A_34] : memref<10240x128xf32, #tpu.memory_space<vmem_shared>> -> memref<10240x128xf32, #tpu.memory_space<vmem_shared>>
        tpu.wait_indirect_dma semaphore(%run_scoped3A : memref<!tpu.dma_semaphore, #tpu.memory_space<semaphore_mem>>) src(%arg5 : memref<128x128xf32, #tpu.memory_space<vmem>>) dst(%dma_wait3A_35 : memref<10240x128xf32, #tpu.memory_space<vmem_shared>>)
        tpu.yield
      }) : () -> ()
    }
    %scan3A_29 = arith.constant 79 : i32
    %barrier3A_30 = arith.constant 0 : index
    tpu.barrier barrier_id(%barrier3A_30)
    "tpu.region"() ({
      %run_scoped3A = tpu.sem_alloc : memref<!tpu.dma_semaphore, #tpu.memory_space<semaphore_mem>>
      %dma_start3A = arith.constant 0 : i32
      %dma_start3A_31 = tpu.memref_slice %arg3[%arg0, %mul3A_7, %dma_start3A] : memref<2x10240x128xf32, #tpu.memory_space<hbm>> -> memref<1x640x128xf32, #tpu.memory_space<hbm>>
      %dma_start3A_32 = tpu.memref_squeeze %dma_start3A_31 : memref<1x640x128xf32, #tpu.memory_space<hbm>> -> memref<640x128xf32, #tpu.memory_space<hbm>>
      %dma_start3A_33 = arith.constant 0 : i32
      %dma_start3A_34 = tpu.memref_slice %arg6[%mul3A_7, %dma_start3A_33] : memref<10240x128xf32, #tpu.memory_space<vmem_shared>> -> memref<640x128xf32, #tpu.memory_space<vmem_shared>>
      tpu.enqueue_dma source(%dma_start3A_34 : memref<640x128xf32, #tpu.memory_space<vmem_shared>>) target(%dma_start3A_32 : memref<640x128xf32, #tpu.memory_space<hbm>>) target_semaphore(%run_scoped3A : memref<!tpu.dma_semaphore, #tpu.memory_space<semaphore_mem>>)
      %dma_wait3A = arith.constant 0 : i32
      %dma_wait3A_35 = tpu.memref_slice %arg3[%arg0, %mul3A_7, %dma_wait3A] : memref<2x10240x128xf32, #tpu.memory_space<hbm>> -> memref<1x640x128xf32, #tpu.memory_space<hbm>>
      %dma_wait3A_36 = tpu.memref_squeeze %dma_wait3A_35 : memref<1x640x128xf32, #tpu.memory_space<hbm>> -> memref<640x128xf32, #tpu.memory_space<hbm>>
      %dma_wait3A_37 = arith.constant 0 : i32
      %dma_wait3A_38 = tpu.memref_slice %arg6[%mul3A_7, %dma_wait3A_37] : memref<10240x128xf32, #tpu.memory_space<vmem_shared>> -> memref<640x128xf32, #tpu.memory_space<vmem_shared>>
      tpu.wait_dma2 semaphore(%run_scoped3A : memref<!tpu.dma_semaphore, #tpu.memory_space<semaphore_mem>>) src(%dma_wait3A_38 : memref<640x128xf32, #tpu.memory_space<vmem_shared>>) dst(%dma_wait3A_36 : memref<640x128xf32, #tpu.memory_space<hbm>>)
      tpu.yield
    }) : () -> ()
    return
  }
}

#map = affine_map<(d0, d1) -> (0, 0)>
#map1 = affine_map<(d0, d1) -> (0, 0, 0)>
module attributes {stable_mosaic.version = 14 : i64} {
  func.func @k(%arg0: i32, %arg1: i32, %arg2: memref<10000x128xf32, #tpu.memory_space<hbm>>, %arg3: memref<32x79x128xi32, #tpu.memory_space<hbm>>, %arg4: memref<32x79x128xi32, #tpu.memory_space<hbm>>, %arg5: memref<2x10240x128xf32, #tpu.memory_space<hbm>>, %arg6: memref<128xi32, #tpu.memory_space<vmem>>, %arg7: memref<128xi32, #tpu.memory_space<vmem>>, %arg8: memref<128x128xf32, #tpu.memory_space<vmem>>, %arg9: memref<10240x128xf32, #tpu.memory_space<vmem_shared>>) attributes {dimension_semantics = [#tpu.dimension_semantics<core_parallel>, #tpu.dimension_semantics<subcore_parallel>], iteration_bounds = array<i64: 2, 16>, scalar_prefetch = 0 : i64, scratch_operands = 4 : i64, tpu.core_type = #tpu.core_type<sc_vector_subcore>, window_params = [{transform_indices = #map}, {transform_indices = #map1}, {transform_indices = #map1}, {transform_indices = #map1}]} {
    %mul3A = arith.constant 16 : i32
    %mul3A_0 = arith.muli %arg0, %mul3A : i32
    %add3A = arith.addi %mul3A_0, %arg1 : i32
    %scan3A = arith.constant 0 : i32
    %scan3A_1 = arith.constant 0 : i32
    %scan3A_2 = arith.constant 128 : i32
    %scan3A_3 = arith.addi %scan3A_1, %scan3A_2 : i32
    %scan3A_4 = arith.constant 1 : i32
    scf.for %scan3A_25 = %scan3A_1 to %scan3A_3 step %scan3A_4  : i32 {
      %broadcast_in_dim3A = arith.constant 0.000000e+00 : f32
      %broadcast_in_dim3A_26 = vector.broadcast %broadcast_in_dim3A : f32 to vector<16xf32>
      %swap3A = arith.index_cast %scan3A_25 : i32 to index
      %swap3A_27 = arith.constant 0 : index
      %swap3A_28 = tpu.vector_load %arg8[%swap3A, %swap3A_27] {strides = array<i32>} : memref<128x128xf32, #tpu.memory_space<vmem>>, vector<1x16xf32>,
      %swap3A_29 = vector.shape_cast %swap3A_28 : vector<1x16xf32> to vector<16xf32>
      %swap3A_30 = vector.shape_cast %broadcast_in_dim3A_26 : vector<16xf32> to vector<1x16xf32>
      tpu.vector_store %arg8[%swap3A, %swap3A_27], %swap3A_30 {strides = array<i32>} : memref<128x128xf32, #tpu.memory_space<vmem>>, vector<1x16xf32>,
      %broadcast_in_dim3A_31 = arith.constant 0.000000e+00 : f32
      %broadcast_in_dim3A_32 = vector.broadcast %broadcast_in_dim3A_31 : f32 to vector<16xf32>
      %swap3A_33 = arith.index_cast %scan3A_25 : i32 to index
      %swap3A_34 = arith.constant 16 : index
      %swap3A_35 = tpu.vector_load %arg8[%swap3A_33, %swap3A_34] {strides = array<i32>} : memref<128x128xf32, #tpu.memory_space<vmem>>, vector<1x16xf32>,
      %swap3A_36 = vector.shape_cast %swap3A_35 : vector<1x16xf32> to vector<16xf32>
      %swap3A_37 = vector.shape_cast %broadcast_in_dim3A_32 : vector<16xf32> to vector<1x16xf32>
      tpu.vector_store %arg8[%swap3A_33, %swap3A_34], %swap3A_37 {strides = array<i32>} : memref<128x128xf32, #tpu.memory_space<vmem>>, vector<1x16xf32>,
      %broadcast_in_dim3A_38 = arith.constant 0.000000e+00 : f32
      %broadcast_in_dim3A_39 = vector.broadcast %broadcast_in_dim3A_38 : f32 to vector<16xf32>
      %swap3A_40 = arith.index_cast %scan3A_25 : i32 to index
      %swap3A_41 = arith.constant 32 : index
      %swap3A_42 = tpu.vector_load %arg8[%swap3A_40, %swap3A_41] {strides = array<i32>} : memref<128x128xf32, #tpu.memory_space<vmem>>, vector<1x16xf32>,
      %swap3A_43 = vector.shape_cast %swap3A_42 : vector<1x16xf32> to vector<16xf32>
      %swap3A_44 = vector.shape_cast %broadcast_in_dim3A_39 : vector<16xf32> to vector<1x16xf32>
      tpu.vector_store %arg8[%swap3A_40, %swap3A_41], %swap3A_44 {strides = array<i32>} : memref<128x128xf32, #tpu.memory_space<vmem>>, vector<1x16xf32>,
      %broadcast_in_dim3A_45 = arith.constant 0.000000e+00 : f32
      %broadcast_in_dim3A_46 = vector.broadcast %broadcast_in_dim3A_45 : f32 to vector<16xf32>
      %swap3A_47 = arith.index_cast %scan3A_25 : i32 to index
      %swap3A_48 = arith.constant 48 : index
      %swap3A_49 = tpu.vector_load %arg8[%swap3A_47, %swap3A_48] {strides = array<i32>} : memref<128x128xf32, #tpu.memory_space<vmem>>, vector<1x16xf32>,
      %swap3A_50 = vector.shape_cast %swap3A_49 : vector<1x16xf32> to vector<16xf32>
      %swap3A_51 = vector.shape_cast %broadcast_in_dim3A_46 : vector<16xf32> to vector<1x16xf32>
      tpu.vector_store %arg8[%swap3A_47, %swap3A_48], %swap3A_51 {strides = array<i32>} : memref<128x128xf32, #tpu.memory_space<vmem>>, vector<1x16xf32>,
      %broadcast_in_dim3A_52 = arith.constant 0.000000e+00 : f32
      %broadcast_in_dim3A_53 = vector.broadcast %broadcast_in_dim3A_52 : f32 to vector<16xf32>
      %swap3A_54 = arith.index_cast %scan3A_25 : i32 to index
      %swap3A_55 = arith.constant 64 : index
      %swap3A_56 = tpu.vector_load %arg8[%swap3A_54, %swap3A_55] {strides = array<i32>} : memref<128x128xf32, #tpu.memory_space<vmem>>, vector<1x16xf32>,
      %swap3A_57 = vector.shape_cast %swap3A_56 : vector<1x16xf32> to vector<16xf32>
      %swap3A_58 = vector.shape_cast %broadcast_in_dim3A_53 : vector<16xf32> to vector<1x16xf32>
      tpu.vector_store %arg8[%swap3A_54, %swap3A_55], %swap3A_58 {strides = array<i32>} : memref<128x128xf32, #tpu.memory_space<vmem>>, vector<1x16xf32>,
      %broadcast_in_dim3A_59 = arith.constant 0.000000e+00 : f32
      %broadcast_in_dim3A_60 = vector.broadcast %broadcast_in_dim3A_59 : f32 to vector<16xf32>
      %swap3A_61 = arith.index_cast %scan3A_25 : i32 to index
      %swap3A_62 = arith.constant 80 : index
      %swap3A_63 = tpu.vector_load %arg8[%swap3A_61, %swap3A_62] {strides = array<i32>} : memref<128x128xf32, #tpu.memory_space<vmem>>, vector<1x16xf32>,
      %swap3A_64 = vector.shape_cast %swap3A_63 : vector<1x16xf32> to vector<16xf32>
      %swap3A_65 = vector.shape_cast %broadcast_in_dim3A_60 : vector<16xf32> to vector<1x16xf32>
      tpu.vector_store %arg8[%swap3A_61, %swap3A_62], %swap3A_65 {strides = array<i32>} : memref<128x128xf32, #tpu.memory_space<vmem>>, vector<1x16xf32>,
      %broadcast_in_dim3A_66 = arith.constant 0.000000e+00 : f32
      %broadcast_in_dim3A_67 = vector.broadcast %broadcast_in_dim3A_66 : f32 to vector<16xf32>
      %swap3A_68 = arith.index_cast %scan3A_25 : i32 to index
      %swap3A_69 = arith.constant 96 : index
      %swap3A_70 = tpu.vector_load %arg8[%swap3A_68, %swap3A_69] {strides = array<i32>} : memref<128x128xf32, #tpu.memory_space<vmem>>, vector<1x16xf32>,
      %swap3A_71 = vector.shape_cast %swap3A_70 : vector<1x16xf32> to vector<16xf32>
      %swap3A_72 = vector.shape_cast %broadcast_in_dim3A_67 : vector<16xf32> to vector<1x16xf32>
      tpu.vector_store %arg8[%swap3A_68, %swap3A_69], %swap3A_72 {strides = array<i32>} : memref<128x128xf32, #tpu.memory_space<vmem>>, vector<1x16xf32>,
      %broadcast_in_dim3A_73 = arith.constant 0.000000e+00 : f32
      %broadcast_in_dim3A_74 = vector.broadcast %broadcast_in_dim3A_73 : f32 to vector<16xf32>
      %swap3A_75 = arith.index_cast %scan3A_25 : i32 to index
      %swap3A_76 = arith.constant 112 : index
      %swap3A_77 = tpu.vector_load %arg8[%swap3A_75, %swap3A_76] {strides = array<i32>} : memref<128x128xf32, #tpu.memory_space<vmem>>, vector<1x16xf32>,
      %swap3A_78 = vector.shape_cast %swap3A_77 : vector<1x16xf32> to vector<16xf32>
      %swap3A_79 = vector.shape_cast %broadcast_in_dim3A_74 : vector<16xf32> to vector<1x16xf32>
      tpu.vector_store %arg8[%swap3A_75, %swap3A_76], %swap3A_79 {strides = array<i32>} : memref<128x128xf32, #tpu.memory_space<vmem>>, vector<1x16xf32>,
    }
    %scan3A_5 = arith.constant 128 : i32
    %mul3A_6 = arith.constant 640 : i32
    %mul3A_7 = arith.muli %arg1, %mul3A_6 : i32
    %add3A_8 = arith.constant 0 : i32
    %add3A_9 = arith.addi %mul3A_7, %add3A_8 : i32
    "tpu.region"() ({
      %run_scoped3A = tpu.sem_alloc : memref<!tpu.dma_semaphore, #tpu.memory_space<semaphore_mem>>
      %dma_start3A = arith.constant 0 : i32
      %dma_start3A_25 = tpu.memref_slice %arg9[%add3A_9, %dma_start3A] : memref<10240x128xf32, #tpu.memory_space<vmem_shared>> -> memref<128x128xf32, #tpu.memory_space<vmem_shared>>
      %dma_start3A_26 = arith.constant 0 : i32
      %dma_start3A_27 = tpu.memref_slice %arg9[%add3A_9, %dma_start3A_26] : memref<10240x128xf32, #tpu.memory_space<vmem_shared>> -> memref<128x128xf32, #tpu.memory_space<vmem_shared>>
      tpu.enqueue_dma source(%arg8 : memref<128x128xf32, #tpu.memory_space<vmem>>) target(%dma_start3A_27 : memref<128x128xf32, #tpu.memory_space<vmem_shared>>) target_semaphore(%run_scoped3A : memref<!tpu.dma_semaphore, #tpu.memory_space<semaphore_mem>>)
      %dma_wait3A = arith.constant 0 : i32
      %dma_wait3A_28 = tpu.memref_slice %arg9[%add3A_9, %dma_wait3A] : memref<10240x128xf32, #tpu.memory_space<vmem_shared>> -> memref<128x128xf32, #tpu.memory_space<vmem_shared>>
      %dma_wait3A_29 = arith.constant 0 : i32
      %dma_wait3A_30 = tpu.memref_slice %arg9[%add3A_9, %dma_wait3A_29] : memref<10240x128xf32, #tpu.memory_space<vmem_shared>> -> memref<128x128xf32, #tpu.memory_space<vmem_shared>>
      tpu.wait_dma2 semaphore(%run_scoped3A : memref<!tpu.dma_semaphore, #tpu.memory_space<semaphore_mem>>) src(%arg8 : memref<128x128xf32, #tpu.memory_space<vmem>>) dst(%dma_wait3A_30 : memref<128x128xf32, #tpu.memory_space<vmem_shared>>)
      tpu.yield
    }) : () -> ()
    %add3A_10 = arith.constant 128 : i32
    %add3A_11 = arith.addi %mul3A_7, %add3A_10 : i32
    "tpu.region"() ({
      %run_scoped3A = tpu.sem_alloc : memref<!tpu.dma_semaphore, #tpu.memory_space<semaphore_mem>>
      %dma_start3A = arith.constant 0 : i32
      %dma_start3A_25 = tpu.memref_slice %arg9[%add3A_11, %dma_start3A] : memref<10240x128xf32, #tpu.memory_space<vmem_shared>> -> memref<128x128xf32, #tpu.memory_space<vmem_shared>>
      %dma_start3A_26 = arith.constant 0 : i32
      %dma_start3A_27 = tpu.memref_slice %arg9[%add3A_11, %dma_start3A_26] : memref<10240x128xf32, #tpu.memory_space<vmem_shared>> -> memref<128x128xf32, #tpu.memory_space<vmem_shared>>
      tpu.enqueue_dma source(%arg8 : memref<128x128xf32, #tpu.memory_space<vmem>>) target(%dma_start3A_27 : memref<128x128xf32, #tpu.memory_space<vmem_shared>>) target_semaphore(%run_scoped3A : memref<!tpu.dma_semaphore, #tpu.memory_space<semaphore_mem>>)
      %dma_wait3A = arith.constant 0 : i32
      %dma_wait3A_28 = tpu.memref_slice %arg9[%add3A_11, %dma_wait3A] : memref<10240x128xf32, #tpu.memory_space<vmem_shared>> -> memref<128x128xf32, #tpu.memory_space<vmem_shared>>
      %dma_wait3A_29 = arith.constant 0 : i32
      %dma_wait3A_30 = tpu.memref_slice %arg9[%add3A_11, %dma_wait3A_29] : memref<10240x128xf32, #tpu.memory_space<vmem_shared>> -> memref<128x128xf32, #tpu.memory_space<vmem_shared>>
      tpu.wait_dma2 semaphore(%run_scoped3A : memref<!tpu.dma_semaphore, #tpu.memory_space<semaphore_mem>>) src(%arg8 : memref<128x128xf32, #tpu.memory_space<vmem>>) dst(%dma_wait3A_30 : memref<128x128xf32, #tpu.memory_space<vmem_shared>>)
      tpu.yield
    }) : () -> ()
    %add3A_12 = arith.constant 256 : i32
    %add3A_13 = arith.addi %mul3A_7, %add3A_12 : i32
    "tpu.region"() ({
      %run_scoped3A = tpu.sem_alloc : memref<!tpu.dma_semaphore, #tpu.memory_space<semaphore_mem>>
      %dma_start3A = arith.constant 0 : i32
      %dma_start3A_25 = tpu.memref_slice %arg9[%add3A_13, %dma_start3A] : memref<10240x128xf32, #tpu.memory_space<vmem_shared>> -> memref<128x128xf32, #tpu.memory_space<vmem_shared>>
      %dma_start3A_26 = arith.constant 0 : i32
      %dma_start3A_27 = tpu.memref_slice %arg9[%add3A_13, %dma_start3A_26] : memref<10240x128xf32, #tpu.memory_space<vmem_shared>> -> memref<128x128xf32, #tpu.memory_space<vmem_shared>>
      tpu.enqueue_dma source(%arg8 : memref<128x128xf32, #tpu.memory_space<vmem>>) target(%dma_start3A_27 : memref<128x128xf32, #tpu.memory_space<vmem_shared>>) target_semaphore(%run_scoped3A : memref<!tpu.dma_semaphore, #tpu.memory_space<semaphore_mem>>)
      %dma_wait3A = arith.constant 0 : i32
      %dma_wait3A_28 = tpu.memref_slice %arg9[%add3A_13, %dma_wait3A] : memref<10240x128xf32, #tpu.memory_space<vmem_shared>> -> memref<128x128xf32, #tpu.memory_space<vmem_shared>>
      %dma_wait3A_29 = arith.constant 0 : i32
      %dma_wait3A_30 = tpu.memref_slice %arg9[%add3A_13, %dma_wait3A_29] : memref<10240x128xf32, #tpu.memory_space<vmem_shared>> -> memref<128x128xf32, #tpu.memory_space<vmem_shared>>
      tpu.wait_dma2 semaphore(%run_scoped3A : memref<!tpu.dma_semaphore, #tpu.memory_space<semaphore_mem>>) src(%arg8 : memref<128x128xf32, #tpu.memory_space<vmem>>) dst(%dma_wait3A_30 : memref<128x128xf32, #tpu.memory_space<vmem_shared>>)
      tpu.yield
    }) : () -> ()
    %add3A_14 = arith.constant 384 : i32
    %add3A_15 = arith.addi %mul3A_7, %add3A_14 : i32
    "tpu.region"() ({
      %run_scoped3A = tpu.sem_alloc : memref<!tpu.dma_semaphore, #tpu.memory_space<semaphore_mem>>
      %dma_start3A = arith.constant 0 : i32
      %dma_start3A_25 = tpu.memref_slice %arg9[%add3A_15, %dma_start3A] : memref<10240x128xf32, #tpu.memory_space<vmem_shared>> -> memref<128x128xf32, #tpu.memory_space<vmem_shared>>
      %dma_start3A_26 = arith.constant 0 : i32
      %dma_start3A_27 = tpu.memref_slice %arg9[%add3A_15, %dma_start3A_26] : memref<10240x128xf32, #tpu.memory_space<vmem_shared>> -> memref<128x128xf32, #tpu.memory_space<vmem_shared>>
      tpu.enqueue_dma source(%arg8 : memref<128x128xf32, #tpu.memory_space<vmem>>) target(%dma_start3A_27 : memref<128x128xf32, #tpu.memory_space<vmem_shared>>) target_semaphore(%run_scoped3A : memref<!tpu.dma_semaphore, #tpu.memory_space<semaphore_mem>>)
      %dma_wait3A = arith.constant 0 : i32
      %dma_wait3A_28 = tpu.memref_slice %arg9[%add3A_15, %dma_wait3A] : memref<10240x128xf32, #tpu.memory_space<vmem_shared>> -> memref<128x128xf32, #tpu.memory_space<vmem_shared>>
      %dma_wait3A_29 = arith.constant 0 : i32
      %dma_wait3A_30 = tpu.memref_slice %arg9[%add3A_15, %dma_wait3A_29] : memref<10240x128xf32, #tpu.memory_space<vmem_shared>> -> memref<128x128xf32, #tpu.memory_space<vmem_shared>>
      tpu.wait_dma2 semaphore(%run_scoped3A : memref<!tpu.dma_semaphore, #tpu.memory_space<semaphore_mem>>) src(%arg8 : memref<128x128xf32, #tpu.memory_space<vmem>>) dst(%dma_wait3A_30 : memref<128x128xf32, #tpu.memory_space<vmem_shared>>)
      tpu.yield
    }) : () -> ()
    %add3A_16 = arith.constant 512 : i32
    %add3A_17 = arith.addi %mul3A_7, %add3A_16 : i32
    "tpu.region"() ({
      %run_scoped3A = tpu.sem_alloc : memref<!tpu.dma_semaphore, #tpu.memory_space<semaphore_mem>>
      %dma_start3A = arith.constant 0 : i32
      %dma_start3A_25 = tpu.memref_slice %arg9[%add3A_17, %dma_start3A] : memref<10240x128xf32, #tpu.memory_space<vmem_shared>> -> memref<128x128xf32, #tpu.memory_space<vmem_shared>>
      %dma_start3A_26 = arith.constant 0 : i32
      %dma_start3A_27 = tpu.memref_slice %arg9[%add3A_17, %dma_start3A_26] : memref<10240x128xf32, #tpu.memory_space<vmem_shared>> -> memref<128x128xf32, #tpu.memory_space<vmem_shared>>
      tpu.enqueue_dma source(%arg8 : memref<128x128xf32, #tpu.memory_space<vmem>>) target(%dma_start3A_27 : memref<128x128xf32, #tpu.memory_space<vmem_shared>>) target_semaphore(%run_scoped3A : memref<!tpu.dma_semaphore, #tpu.memory_space<semaphore_mem>>)
      %dma_wait3A = arith.constant 0 : i32
      %dma_wait3A_28 = tpu.memref_slice %arg9[%add3A_17, %dma_wait3A] : memref<10240x128xf32, #tpu.memory_space<vmem_shared>> -> memref<128x128xf32, #tpu.memory_space<vmem_shared>>
      %dma_wait3A_29 = arith.constant 0 : i32
      %dma_wait3A_30 = tpu.memref_slice %arg9[%add3A_17, %dma_wait3A_29] : memref<10240x128xf32, #tpu.memory_space<vmem_shared>> -> memref<128x128xf32, #tpu.memory_space<vmem_shared>>
      tpu.wait_dma2 semaphore(%run_scoped3A : memref<!tpu.dma_semaphore, #tpu.memory_space<semaphore_mem>>) src(%arg8 : memref<128x128xf32, #tpu.memory_space<vmem>>) dst(%dma_wait3A_30 : memref<128x128xf32, #tpu.memory_space<vmem_shared>>)
      tpu.yield
    }) : () -> ()
    %barrier3A = arith.constant 0 : index
    tpu.barrier barrier_id(%barrier3A)
    %scan3A_18 = arith.constant 0 : i32
    %scan3A_19 = arith.constant 0 : i32
    %scan3A_20 = arith.constant 79 : i32
    %scan3A_21 = arith.addi %scan3A_19, %scan3A_20 : i32
    %scan3A_22 = arith.constant 1 : i32
    scf.for %scan3A_25 = %scan3A_19 to %scan3A_21 step %scan3A_22  : i32 {
      "tpu.region"() ({
        %run_scoped3A = tpu.sem_alloc : memref<!tpu.dma_semaphore, #tpu.memory_space<semaphore_mem>>
        %dma_start3A = arith.constant 0 : i32
        %dma_start3A_26 = tpu.memref_slice %arg3[%add3A, %scan3A_25, %dma_start3A] : memref<32x79x128xi32, #tpu.memory_space<hbm>> -> memref<1x1x128xi32, #tpu.memory_space<hbm>>
        %dma_start3A_27 = tpu.memref_squeeze %dma_start3A_26 : memref<1x1x128xi32, #tpu.memory_space<hbm>> -> memref<128xi32, #tpu.memory_space<hbm>>
        %dma_start3A_28 = arith.constant 0 : i32
        %dma_start3A_29 = tpu.memref_slice %arg3[%add3A, %scan3A_25, %dma_start3A_28] : memref<32x79x128xi32, #tpu.memory_space<hbm>> -> memref<1x1x128xi32, #tpu.memory_space<hbm>>
        %dma_start3A_30 = tpu.memref_squeeze %dma_start3A_29 : memref<1x1x128xi32, #tpu.memory_space<hbm>> -> memref<128xi32, #tpu.memory_space<hbm>>
        tpu.enqueue_dma source(%dma_start3A_30 : memref<128xi32, #tpu.memory_space<hbm>>) target(%arg6 : memref<128xi32, #tpu.memory_space<vmem>>) target_semaphore(%run_scoped3A : memref<!tpu.dma_semaphore, #tpu.memory_space<semaphore_mem>>)
        %dma_wait3A = arith.constant 0 : i32
        %dma_wait3A_31 = tpu.memref_slice %arg3[%add3A, %scan3A_25, %dma_wait3A] : memref<32x79x128xi32, #tpu.memory_space<hbm>> -> memref<1x1x128xi32, #tpu.memory_space<hbm>>
        %dma_wait3A_32 = tpu.memref_squeeze %dma_wait3A_31 : memref<1x1x128xi32, #tpu.memory_space<hbm>> -> memref<128xi32, #tpu.memory_space<hbm>>
        %dma_wait3A_33 = arith.constant 0 : i32
        %dma_wait3A_34 = tpu.memref_slice %arg3[%add3A, %scan3A_25, %dma_wait3A_33] : memref<32x79x128xi32, #tpu.memory_space<hbm>> -> memref<1x1x128xi32, #tpu.memory_space<hbm>>
        %dma_wait3A_35 = tpu.memref_squeeze %dma_wait3A_34 : memref<1x1x128xi32, #tpu.memory_space<hbm>> -> memref<128xi32, #tpu.memory_space<hbm>>
        tpu.wait_dma2 semaphore(%run_scoped3A : memref<!tpu.dma_semaphore, #tpu.memory_space<semaphore_mem>>) src(%dma_wait3A_35 : memref<128xi32, #tpu.memory_space<hbm>>) dst(%arg6 : memref<128xi32, #tpu.memory_space<vmem>>)
        tpu.yield
      }) : () -> ()
      "tpu.region"() ({
        %run_scoped3A = tpu.sem_alloc : memref<!tpu.dma_semaphore, #tpu.memory_space<semaphore_mem>>
        %dma_start3A = arith.constant 0 : i32
        %dma_start3A_26 = tpu.memref_slice %arg4[%add3A, %scan3A_25, %dma_start3A] : memref<32x79x128xi32, #tpu.memory_space<hbm>> -> memref<1x1x128xi32, #tpu.memory_space<hbm>>
        %dma_start3A_27 = tpu.memref_squeeze %dma_start3A_26 : memref<1x1x128xi32, #tpu.memory_space<hbm>> -> memref<128xi32, #tpu.memory_space<hbm>>
        %dma_start3A_28 = arith.constant 0 : i32
        %dma_start3A_29 = tpu.memref_slice %arg4[%add3A, %scan3A_25, %dma_start3A_28] : memref<32x79x128xi32, #tpu.memory_space<hbm>> -> memref<1x1x128xi32, #tpu.memory_space<hbm>>
        %dma_start3A_30 = tpu.memref_squeeze %dma_start3A_29 : memref<1x1x128xi32, #tpu.memory_space<hbm>> -> memref<128xi32, #tpu.memory_space<hbm>>
        tpu.enqueue_dma source(%dma_start3A_30 : memref<128xi32, #tpu.memory_space<hbm>>) target(%arg7 : memref<128xi32, #tpu.memory_space<vmem>>) target_semaphore(%run_scoped3A : memref<!tpu.dma_semaphore, #tpu.memory_space<semaphore_mem>>)
        %dma_wait3A = arith.constant 0 : i32
        %dma_wait3A_31 = tpu.memref_slice %arg4[%add3A, %scan3A_25, %dma_wait3A] : memref<32x79x128xi32, #tpu.memory_space<hbm>> -> memref<1x1x128xi32, #tpu.memory_space<hbm>>
        %dma_wait3A_32 = tpu.memref_squeeze %dma_wait3A_31 : memref<1x1x128xi32, #tpu.memory_space<hbm>> -> memref<128xi32, #tpu.memory_space<hbm>>
        %dma_wait3A_33 = arith.constant 0 : i32
        %dma_wait3A_34 = tpu.memref_slice %arg4[%add3A, %scan3A_25, %dma_wait3A_33] : memref<32x79x128xi32, #tpu.memory_space<hbm>> -> memref<1x1x128xi32, #tpu.memory_space<hbm>>
        %dma_wait3A_35 = tpu.memref_squeeze %dma_wait3A_34 : memref<1x1x128xi32, #tpu.memory_space<hbm>> -> memref<128xi32, #tpu.memory_space<hbm>>
        tpu.wait_dma2 semaphore(%run_scoped3A : memref<!tpu.dma_semaphore, #tpu.memory_space<semaphore_mem>>) src(%dma_wait3A_35 : memref<128xi32, #tpu.memory_space<hbm>>) dst(%arg7 : memref<128xi32, #tpu.memory_space<vmem>>)
        tpu.yield
      }) : () -> ()
      "tpu.region"() ({
        %run_scoped3A = tpu.sem_alloc : memref<!tpu.dma_semaphore, #tpu.memory_space<semaphore_mem>>
        %dma_start3A = arith.constant 0 : i32
        %dma_start3A_26 = arith.constant 0 : i32
        %dma_start3A_27 = tpu.memref_slice %arg2[%dma_start3A, %dma_start3A_26] : memref<10000x128xf32, #tpu.memory_space<hbm>> -> memref<10000x128xf32, #tpu.memory_space<hbm>>
        tpu.enqueue_indirect_dma source(%dma_start3A_27 : memref<10000x128xf32, #tpu.memory_space<hbm>>) target(%arg8 : memref<128x128xf32, #tpu.memory_space<vmem>>) offsets(%arg6 : memref<128xi32, #tpu.memory_space<vmem>>) semaphore(%run_scoped3A : memref<!tpu.dma_semaphore, #tpu.memory_space<semaphore_mem>>)
        %dma_wait3A = arith.constant 0 : i32
        %dma_wait3A_28 = arith.constant 0 : i32
        %dma_wait3A_29 = tpu.memref_slice %arg2[%dma_wait3A, %dma_wait3A_28] : memref<10000x128xf32, #tpu.memory_space<hbm>> -> memref<10000x128xf32, #tpu.memory_space<hbm>>
        tpu.wait_indirect_dma semaphore(%run_scoped3A : memref<!tpu.dma_semaphore, #tpu.memory_space<semaphore_mem>>) src(%dma_wait3A_29 : memref<10000x128xf32, #tpu.memory_space<hbm>>) dst(%arg8 : memref<128x128xf32, #tpu.memory_space<vmem>>)
        tpu.yield
      }) : () -> ()
      "tpu.region"() ({
        %run_scoped3A = tpu.sem_alloc : memref<!tpu.dma_semaphore, #tpu.memory_space<semaphore_mem>>
        %dma_start3A = arith.constant 0 : i32
        %dma_start3A_26 = arith.constant 0 : i32
        %dma_start3A_27 = tpu.memref_slice %arg9[%dma_start3A, %dma_start3A_26] : memref<10240x128xf32, #tpu.memory_space<vmem_shared>> -> memref<10240x128xf32, #tpu.memory_space<vmem_shared>>
        tpu.enqueue_indirect_dma source(%arg8 : memref<128x128xf32, #tpu.memory_space<vmem>>) target(%dma_start3A_27 : memref<10240x128xf32, #tpu.memory_space<vmem_shared>>) offsets(%arg7 : memref<128xi32, #tpu.memory_space<vmem>>) semaphore(%run_scoped3A : memref<!tpu.dma_semaphore, #tpu.memory_space<semaphore_mem>>) {add = true}
        %dma_wait3A = arith.constant 0 : i32
        %dma_wait3A_28 = arith.constant 0 : i32
        %dma_wait3A_29 = tpu.memref_slice %arg9[%dma_wait3A, %dma_wait3A_28] : memref<10240x128xf32, #tpu.memory_space<vmem_shared>> -> memref<10240x128xf32, #tpu.memory_space<vmem_shared>>
        tpu.wait_indirect_dma semaphore(%run_scoped3A : memref<!tpu.dma_semaphore, #tpu.memory_space<semaphore_mem>>) src(%arg8 : memref<128x128xf32, #tpu.memory_space<vmem>>) dst(%dma_wait3A_29 : memref<10240x128xf32, #tpu.memory_space<vmem_shared>>)
        tpu.yield
      }) : () -> ()
    }
    %scan3A_23 = arith.constant 79 : i32
    %barrier3A_24 = arith.constant 0 : index
    tpu.barrier barrier_id(%barrier3A_24)
    "tpu.region"() ({
      %run_scoped3A = tpu.sem_alloc : memref<!tpu.dma_semaphore, #tpu.memory_space<semaphore_mem>>
      %dma_start3A = arith.constant 0 : i32
      %dma_start3A_25 = tpu.memref_slice %arg5[%arg0, %mul3A_7, %dma_start3A] : memref<2x10240x128xf32, #tpu.memory_space<hbm>> -> memref<1x640x128xf32, #tpu.memory_space<hbm>>
      %dma_start3A_26 = tpu.memref_squeeze %dma_start3A_25 : memref<1x640x128xf32, #tpu.memory_space<hbm>> -> memref<640x128xf32, #tpu.memory_space<hbm>>
      %dma_start3A_27 = arith.constant 0 : i32
      %dma_start3A_28 = tpu.memref_slice %arg9[%mul3A_7, %dma_start3A_27] : memref<10240x128xf32, #tpu.memory_space<vmem_shared>> -> memref<640x128xf32, #tpu.memory_space<vmem_shared>>
      tpu.enqueue_dma source(%dma_start3A_28 : memref<640x128xf32, #tpu.memory_space<vmem_shared>>) target(%dma_start3A_26 : memref<640x128xf32, #tpu.memory_space<hbm>>) target_semaphore(%run_scoped3A : memref<!tpu.dma_semaphore, #tpu.memory_space<semaphore_mem>>)
      %dma_wait3A = arith.constant 0 : i32
      %dma_wait3A_29 = tpu.memref_slice %arg5[%arg0, %mul3A_7, %dma_wait3A] : memref<2x10240x128xf32, #tpu.memory_space<hbm>> -> memref<1x640x128xf32, #tpu.memory_space<hbm>>
      %dma_wait3A_30 = tpu.memref_squeeze %dma_wait3A_29 : memref<1x640x128xf32, #tpu.memory_space<hbm>> -> memref<640x128xf32, #tpu.memory_space<hbm>>
      %dma_wait3A_31 = arith.constant 0 : i32
      %dma_wait3A_32 = tpu.memref_slice %arg9[%mul3A_7, %dma_wait3A_31] : memref<10240x128xf32, #tpu.memory_space<vmem_shared>> -> memref<640x128xf32, #tpu.memory_space<vmem_shared>>
      tpu.wait_dma2 semaphore(%run_scoped3A : memref<!tpu.dma_semaphore, #tpu.memory_space<semaphore_mem>>) src(%dma_wait3A_32 : memref<640x128xf32, #tpu.memory_space<vmem_shared>>) dst(%dma_wait3A_30 : memref<640x128xf32, #tpu.memory_space<hbm>>)
      tpu.yield
    }) : () -> ()
    return
  }
}

#map = affine_map<(d0, d1) -> (0, 0)>
#map1 = affine_map<(d0, d1) -> (0, 0, 0)>
module attributes {stable_mosaic.version = 14 : i64} {
  func.func @k(%arg0: i32, %arg1: i32, %arg2: memref<10000x128xf32, #tpu.memory_space<hbm>>, %arg3: memref<32x79x128xi32, #tpu.memory_space<hbm>>, %arg4: memref<32x79x128xi32, #tpu.memory_space<hbm>>, %arg5: memref<2x10240x128xf32, #tpu.memory_space<hbm>>, %arg6: memref<128xi32, #tpu.memory_space<vmem>>, %arg7: memref<128xi32, #tpu.memory_space<vmem>>, %arg8: memref<128x128xf32, #tpu.memory_space<vmem>>, %arg9: memref<10240x128xf32, #tpu.memory_space<vmem_shared>>) attributes {dimension_semantics = [#tpu.dimension_semantics<core_parallel>, #tpu.dimension_semantics<subcore_parallel>], iteration_bounds = array<i64: 2, 16>, scalar_prefetch = 0 : i64, scratch_operands = 4 : i64, tpu.core_type = #tpu.core_type<sc_vector_subcore>, window_params = [{transform_indices = #map}, {transform_indices = #map1}, {transform_indices = #map1}, {transform_indices = #map1}]} {
    %mul3A = arith.constant 16 : i32
    %mul3A_0 = arith.muli %arg0, %mul3A : i32
    %add3A = arith.addi %mul3A_0, %arg1 : i32
    %scan3A = arith.constant 0 : i32
    %scan3A_1 = arith.constant 0 : i32
    %scan3A_2 = arith.constant 128 : i32
    %scan3A_3 = arith.addi %scan3A_1, %scan3A_2 : i32
    %scan3A_4 = arith.constant 1 : i32
    scf.for %scan3A_25 = %scan3A_1 to %scan3A_3 step %scan3A_4  : i32 {
      %broadcast_in_dim3A = arith.constant 0.000000e+00 : f32
      %broadcast_in_dim3A_26 = vector.broadcast %broadcast_in_dim3A : f32 to vector<16xf32>
      %swap3A = arith.index_cast %scan3A_25 : i32 to index
      %swap3A_27 = arith.constant 0 : index
      %swap3A_28 = tpu.vector_load %arg8[%swap3A, %swap3A_27] {strides = array<i32>} : memref<128x128xf32, #tpu.memory_space<vmem>>, vector<1x16xf32>,
      %swap3A_29 = vector.shape_cast %swap3A_28 : vector<1x16xf32> to vector<16xf32>
      %swap3A_30 = vector.shape_cast %broadcast_in_dim3A_26 : vector<16xf32> to vector<1x16xf32>
      tpu.vector_store %arg8[%swap3A, %swap3A_27], %swap3A_30 {strides = array<i32>} : memref<128x128xf32, #tpu.memory_space<vmem>>, vector<1x16xf32>,
      %broadcast_in_dim3A_31 = arith.constant 0.000000e+00 : f32
      %broadcast_in_dim3A_32 = vector.broadcast %broadcast_in_dim3A_31 : f32 to vector<16xf32>
      %swap3A_33 = arith.index_cast %scan3A_25 : i32 to index
      %swap3A_34 = arith.constant 16 : index
      %swap3A_35 = tpu.vector_load %arg8[%swap3A_33, %swap3A_34] {strides = array<i32>} : memref<128x128xf32, #tpu.memory_space<vmem>>, vector<1x16xf32>,
      %swap3A_36 = vector.shape_cast %swap3A_35 : vector<1x16xf32> to vector<16xf32>
      %swap3A_37 = vector.shape_cast %broadcast_in_dim3A_32 : vector<16xf32> to vector<1x16xf32>
      tpu.vector_store %arg8[%swap3A_33, %swap3A_34], %swap3A_37 {strides = array<i32>} : memref<128x128xf32, #tpu.memory_space<vmem>>, vector<1x16xf32>,
      %broadcast_in_dim3A_38 = arith.constant 0.000000e+00 : f32
      %broadcast_in_dim3A_39 = vector.broadcast %broadcast_in_dim3A_38 : f32 to vector<16xf32>
      %swap3A_40 = arith.index_cast %scan3A_25 : i32 to index
      %swap3A_41 = arith.constant 32 : index
      %swap3A_42 = tpu.vector_load %arg8[%swap3A_40, %swap3A_41] {strides = array<i32>} : memref<128x128xf32, #tpu.memory_space<vmem>>, vector<1x16xf32>,
      %swap3A_43 = vector.shape_cast %swap3A_42 : vector<1x16xf32> to vector<16xf32>
      %swap3A_44 = vector.shape_cast %broadcast_in_dim3A_39 : vector<16xf32> to vector<1x16xf32>
      tpu.vector_store %arg8[%swap3A_40, %swap3A_41], %swap3A_44 {strides = array<i32>} : memref<128x128xf32, #tpu.memory_space<vmem>>, vector<1x16xf32>,
      %broadcast_in_dim3A_45 = arith.constant 0.000000e+00 : f32
      %broadcast_in_dim3A_46 = vector.broadcast %broadcast_in_dim3A_45 : f32 to vector<16xf32>
      %swap3A_47 = arith.index_cast %scan3A_25 : i32 to index
      %swap3A_48 = arith.constant 48 : index
      %swap3A_49 = tpu.vector_load %arg8[%swap3A_47, %swap3A_48] {strides = array<i32>} : memref<128x128xf32, #tpu.memory_space<vmem>>, vector<1x16xf32>,
      %swap3A_50 = vector.shape_cast %swap3A_49 : vector<1x16xf32> to vector<16xf32>
      %swap3A_51 = vector.shape_cast %broadcast_in_dim3A_46 : vector<16xf32> to vector<1x16xf32>
      tpu.vector_store %arg8[%swap3A_47, %swap3A_48], %swap3A_51 {strides = array<i32>} : memref<128x128xf32, #tpu.memory_space<vmem>>, vector<1x16xf32>,
      %broadcast_in_dim3A_52 = arith.constant 0.000000e+00 : f32
      %broadcast_in_dim3A_53 = vector.broadcast %broadcast_in_dim3A_52 : f32 to vector<16xf32>
      %swap3A_54 = arith.index_cast %scan3A_25 : i32 to index
      %swap3A_55 = arith.constant 64 : index
      %swap3A_56 = tpu.vector_load %arg8[%swap3A_54, %swap3A_55] {strides = array<i32>} : memref<128x128xf32, #tpu.memory_space<vmem>>, vector<1x16xf32>,
      %swap3A_57 = vector.shape_cast %swap3A_56 : vector<1x16xf32> to vector<16xf32>
      %swap3A_58 = vector.shape_cast %broadcast_in_dim3A_53 : vector<16xf32> to vector<1x16xf32>
      tpu.vector_store %arg8[%swap3A_54, %swap3A_55], %swap3A_58 {strides = array<i32>} : memref<128x128xf32, #tpu.memory_space<vmem>>, vector<1x16xf32>,
      %broadcast_in_dim3A_59 = arith.constant 0.000000e+00 : f32
      %broadcast_in_dim3A_60 = vector.broadcast %broadcast_in_dim3A_59 : f32 to vector<16xf32>
      %swap3A_61 = arith.index_cast %scan3A_25 : i32 to index
      %swap3A_62 = arith.constant 80 : index
      %swap3A_63 = tpu.vector_load %arg8[%swap3A_61, %swap3A_62] {strides = array<i32>} : memref<128x128xf32, #tpu.memory_space<vmem>>, vector<1x16xf32>,
      %swap3A_64 = vector.shape_cast %swap3A_63 : vector<1x16xf32> to vector<16xf32>
      %swap3A_65 = vector.shape_cast %broadcast_in_dim3A_60 : vector<16xf32> to vector<1x16xf32>
      tpu.vector_store %arg8[%swap3A_61, %swap3A_62], %swap3A_65 {strides = array<i32>} : memref<128x128xf32, #tpu.memory_space<vmem>>, vector<1x16xf32>,
      %broadcast_in_dim3A_66 = arith.constant 0.000000e+00 : f32
      %broadcast_in_dim3A_67 = vector.broadcast %broadcast_in_dim3A_66 : f32 to vector<16xf32>
      %swap3A_68 = arith.index_cast %scan3A_25 : i32 to index
      %swap3A_69 = arith.constant 96 : index
      %swap3A_70 = tpu.vector_load %arg8[%swap3A_68, %swap3A_69] {strides = array<i32>} : memref<128x128xf32, #tpu.memory_space<vmem>>, vector<1x16xf32>,
      %swap3A_71 = vector.shape_cast %swap3A_70 : vector<1x16xf32> to vector<16xf32>
      %swap3A_72 = vector.shape_cast %broadcast_in_dim3A_67 : vector<16xf32> to vector<1x16xf32>
      tpu.vector_store %arg8[%swap3A_68, %swap3A_69], %swap3A_72 {strides = array<i32>} : memref<128x128xf32, #tpu.memory_space<vmem>>, vector<1x16xf32>,
      %broadcast_in_dim3A_73 = arith.constant 0.000000e+00 : f32
      %broadcast_in_dim3A_74 = vector.broadcast %broadcast_in_dim3A_73 : f32 to vector<16xf32>
      %swap3A_75 = arith.index_cast %scan3A_25 : i32 to index
      %swap3A_76 = arith.constant 112 : index
      %swap3A_77 = tpu.vector_load %arg8[%swap3A_75, %swap3A_76] {strides = array<i32>} : memref<128x128xf32, #tpu.memory_space<vmem>>, vector<1x16xf32>,
      %swap3A_78 = vector.shape_cast %swap3A_77 : vector<1x16xf32> to vector<16xf32>
      %swap3A_79 = vector.shape_cast %broadcast_in_dim3A_74 : vector<16xf32> to vector<1x16xf32>
      tpu.vector_store %arg8[%swap3A_75, %swap3A_76], %swap3A_79 {strides = array<i32>} : memref<128x128xf32, #tpu.memory_space<vmem>>, vector<1x16xf32>,
    }
    %scan3A_5 = arith.constant 128 : i32
    %mul3A_6 = arith.constant 640 : i32
    %mul3A_7 = arith.muli %arg1, %mul3A_6 : i32
    %add3A_8 = arith.constant 0 : i32
    %add3A_9 = arith.addi %mul3A_7, %add3A_8 : i32
    "tpu.region"() ({
      %run_scoped3A = tpu.sem_alloc : memref<!tpu.dma_semaphore, #tpu.memory_space<semaphore_mem>>
      %dma_start3A = arith.constant 0 : i32
      %dma_start3A_25 = tpu.memref_slice %arg9[%add3A_9, %dma_start3A] : memref<10240x128xf32, #tpu.memory_space<vmem_shared>> -> memref<128x128xf32, #tpu.memory_space<vmem_shared>>
      %dma_start3A_26 = arith.constant 0 : i32
      %dma_start3A_27 = tpu.memref_slice %arg9[%add3A_9, %dma_start3A_26] : memref<10240x128xf32, #tpu.memory_space<vmem_shared>> -> memref<128x128xf32, #tpu.memory_space<vmem_shared>>
      tpu.enqueue_dma source(%arg8 : memref<128x128xf32, #tpu.memory_space<vmem>>) target(%dma_start3A_27 : memref<128x128xf32, #tpu.memory_space<vmem_shared>>) target_semaphore(%run_scoped3A : memref<!tpu.dma_semaphore, #tpu.memory_space<semaphore_mem>>)
      %dma_wait3A = arith.constant 0 : i32
      %dma_wait3A_28 = tpu.memref_slice %arg9[%add3A_9, %dma_wait3A] : memref<10240x128xf32, #tpu.memory_space<vmem_shared>> -> memref<128x128xf32, #tpu.memory_space<vmem_shared>>
      %dma_wait3A_29 = arith.constant 0 : i32
      %dma_wait3A_30 = tpu.memref_slice %arg9[%add3A_9, %dma_wait3A_29] : memref<10240x128xf32, #tpu.memory_space<vmem_shared>> -> memref<128x128xf32, #tpu.memory_space<vmem_shared>>
      tpu.wait_dma2 semaphore(%run_scoped3A : memref<!tpu.dma_semaphore, #tpu.memory_space<semaphore_mem>>) src(%arg8 : memref<128x128xf32, #tpu.memory_space<vmem>>) dst(%dma_wait3A_30 : memref<128x128xf32, #tpu.memory_space<vmem_shared>>)
      tpu.yield
    }) : () -> ()
    %add3A_10 = arith.constant 128 : i32
    %add3A_11 = arith.addi %mul3A_7, %add3A_10 : i32
    "tpu.region"() ({
      %run_scoped3A = tpu.sem_alloc : memref<!tpu.dma_semaphore, #tpu.memory_space<semaphore_mem>>
      %dma_start3A = arith.constant 0 : i32
      %dma_start3A_25 = tpu.memref_slice %arg9[%add3A_11, %dma_start3A] : memref<10240x128xf32, #tpu.memory_space<vmem_shared>> -> memref<128x128xf32, #tpu.memory_space<vmem_shared>>
      %dma_start3A_26 = arith.constant 0 : i32
      %dma_start3A_27 = tpu.memref_slice %arg9[%add3A_11, %dma_start3A_26] : memref<10240x128xf32, #tpu.memory_space<vmem_shared>> -> memref<128x128xf32, #tpu.memory_space<vmem_shared>>
      tpu.enqueue_dma source(%arg8 : memref<128x128xf32, #tpu.memory_space<vmem>>) target(%dma_start3A_27 : memref<128x128xf32, #tpu.memory_space<vmem_shared>>) target_semaphore(%run_scoped3A : memref<!tpu.dma_semaphore, #tpu.memory_space<semaphore_mem>>)
      %dma_wait3A = arith.constant 0 : i32
      %dma_wait3A_28 = tpu.memref_slice %arg9[%add3A_11, %dma_wait3A] : memref<10240x128xf32, #tpu.memory_space<vmem_shared>> -> memref<128x128xf32, #tpu.memory_space<vmem_shared>>
      %dma_wait3A_29 = arith.constant 0 : i32
      %dma_wait3A_30 = tpu.memref_slice %arg9[%add3A_11, %dma_wait3A_29] : memref<10240x128xf32, #tpu.memory_space<vmem_shared>> -> memref<128x128xf32, #tpu.memory_space<vmem_shared>>
      tpu.wait_dma2 semaphore(%run_scoped3A : memref<!tpu.dma_semaphore, #tpu.memory_space<semaphore_mem>>) src(%arg8 : memref<128x128xf32, #tpu.memory_space<vmem>>) dst(%dma_wait3A_30 : memref<128x128xf32, #tpu.memory_space<vmem_shared>>)
      tpu.yield
    }) : () -> ()
    %add3A_12 = arith.constant 256 : i32
    %add3A_13 = arith.addi %mul3A_7, %add3A_12 : i32
    "tpu.region"() ({
      %run_scoped3A = tpu.sem_alloc : memref<!tpu.dma_semaphore, #tpu.memory_space<semaphore_mem>>
      %dma_start3A = arith.constant 0 : i32
      %dma_start3A_25 = tpu.memref_slice %arg9[%add3A_13, %dma_start3A] : memref<10240x128xf32, #tpu.memory_space<vmem_shared>> -> memref<128x128xf32, #tpu.memory_space<vmem_shared>>
      %dma_start3A_26 = arith.constant 0 : i32
      %dma_start3A_27 = tpu.memref_slice %arg9[%add3A_13, %dma_start3A_26] : memref<10240x128xf32, #tpu.memory_space<vmem_shared>> -> memref<128x128xf32, #tpu.memory_space<vmem_shared>>
      tpu.enqueue_dma source(%arg8 : memref<128x128xf32, #tpu.memory_space<vmem>>) target(%dma_start3A_27 : memref<128x128xf32, #tpu.memory_space<vmem_shared>>) target_semaphore(%run_scoped3A : memref<!tpu.dma_semaphore, #tpu.memory_space<semaphore_mem>>)
      %dma_wait3A = arith.constant 0 : i32
      %dma_wait3A_28 = tpu.memref_slice %arg9[%add3A_13, %dma_wait3A] : memref<10240x128xf32, #tpu.memory_space<vmem_shared>> -> memref<128x128xf32, #tpu.memory_space<vmem_shared>>
      %dma_wait3A_29 = arith.constant 0 : i32
      %dma_wait3A_30 = tpu.memref_slice %arg9[%add3A_13, %dma_wait3A_29] : memref<10240x128xf32, #tpu.memory_space<vmem_shared>> -> memref<128x128xf32, #tpu.memory_space<vmem_shared>>
      tpu.wait_dma2 semaphore(%run_scoped3A : memref<!tpu.dma_semaphore, #tpu.memory_space<semaphore_mem>>) src(%arg8 : memref<128x128xf32, #tpu.memory_space<vmem>>) dst(%dma_wait3A_30 : memref<128x128xf32, #tpu.memory_space<vmem_shared>>)
      tpu.yield
    }) : () -> ()
    %add3A_14 = arith.constant 384 : i32
    %add3A_15 = arith.addi %mul3A_7, %add3A_14 : i32
    "tpu.region"() ({
      %run_scoped3A = tpu.sem_alloc : memref<!tpu.dma_semaphore, #tpu.memory_space<semaphore_mem>>
      %dma_start3A = arith.constant 0 : i32
      %dma_start3A_25 = tpu.memref_slice %arg9[%add3A_15, %dma_start3A] : memref<10240x128xf32, #tpu.memory_space<vmem_shared>> -> memref<128x128xf32, #tpu.memory_space<vmem_shared>>
      %dma_start3A_26 = arith.constant 0 : i32
      %dma_start3A_27 = tpu.memref_slice %arg9[%add3A_15, %dma_start3A_26] : memref<10240x128xf32, #tpu.memory_space<vmem_shared>> -> memref<128x128xf32, #tpu.memory_space<vmem_shared>>
      tpu.enqueue_dma source(%arg8 : memref<128x128xf32, #tpu.memory_space<vmem>>) target(%dma_start3A_27 : memref<128x128xf32, #tpu.memory_space<vmem_shared>>) target_semaphore(%run_scoped3A : memref<!tpu.dma_semaphore, #tpu.memory_space<semaphore_mem>>)
      %dma_wait3A = arith.constant 0 : i32
      %dma_wait3A_28 = tpu.memref_slice %arg9[%add3A_15, %dma_wait3A] : memref<10240x128xf32, #tpu.memory_space<vmem_shared>> -> memref<128x128xf32, #tpu.memory_space<vmem_shared>>
      %dma_wait3A_29 = arith.constant 0 : i32
      %dma_wait3A_30 = tpu.memref_slice %arg9[%add3A_15, %dma_wait3A_29] : memref<10240x128xf32, #tpu.memory_space<vmem_shared>> -> memref<128x128xf32, #tpu.memory_space<vmem_shared>>
      tpu.wait_dma2 semaphore(%run_scoped3A : memref<!tpu.dma_semaphore, #tpu.memory_space<semaphore_mem>>) src(%arg8 : memref<128x128xf32, #tpu.memory_space<vmem>>) dst(%dma_wait3A_30 : memref<128x128xf32, #tpu.memory_space<vmem_shared>>)
      tpu.yield
    }) : () -> ()
    %add3A_16 = arith.constant 512 : i32
    %add3A_17 = arith.addi %mul3A_7, %add3A_16 : i32
    "tpu.region"() ({
      %run_scoped3A = tpu.sem_alloc : memref<!tpu.dma_semaphore, #tpu.memory_space<semaphore_mem>>
      %dma_start3A = arith.constant 0 : i32
      %dma_start3A_25 = tpu.memref_slice %arg9[%add3A_17, %dma_start3A] : memref<10240x128xf32, #tpu.memory_space<vmem_shared>> -> memref<128x128xf32, #tpu.memory_space<vmem_shared>>
      %dma_start3A_26 = arith.constant 0 : i32
      %dma_start3A_27 = tpu.memref_slice %arg9[%add3A_17, %dma_start3A_26] : memref<10240x128xf32, #tpu.memory_space<vmem_shared>> -> memref<128x128xf32, #tpu.memory_space<vmem_shared>>
      tpu.enqueue_dma source(%arg8 : memref<128x128xf32, #tpu.memory_space<vmem>>) target(%dma_start3A_27 : memref<128x128xf32, #tpu.memory_space<vmem_shared>>) target_semaphore(%run_scoped3A : memref<!tpu.dma_semaphore, #tpu.memory_space<semaphore_mem>>)
      %dma_wait3A = arith.constant 0 : i32
      %dma_wait3A_28 = tpu.memref_slice %arg9[%add3A_17, %dma_wait3A] : memref<10240x128xf32, #tpu.memory_space<vmem_shared>> -> memref<128x128xf32, #tpu.memory_space<vmem_shared>>
      %dma_wait3A_29 = arith.constant 0 : i32
      %dma_wait3A_30 = tpu.memref_slice %arg9[%add3A_17, %dma_wait3A_29] : memref<10240x128xf32, #tpu.memory_space<vmem_shared>> -> memref<128x128xf32, #tpu.memory_space<vmem_shared>>
      tpu.wait_dma2 semaphore(%run_scoped3A : memref<!tpu.dma_semaphore, #tpu.memory_space<semaphore_mem>>) src(%arg8 : memref<128x128xf32, #tpu.memory_space<vmem>>) dst(%dma_wait3A_30 : memref<128x128xf32, #tpu.memory_space<vmem_shared>>)
      tpu.yield
    }) : () -> ()
    %barrier3A = arith.constant 0 : index
    tpu.barrier barrier_id(%barrier3A)
    %scan3A_18 = arith.constant 0 : i32
    %scan3A_19 = arith.constant 0 : i32
    %scan3A_20 = arith.constant 79 : i32
    %scan3A_21 = arith.addi %scan3A_19, %scan3A_20 : i32
    %scan3A_22 = arith.constant 1 : i32
    scf.for %scan3A_25 = %scan3A_19 to %scan3A_21 step %scan3A_22  : i32 {
      "tpu.region"() ({
        %run_scoped3A = tpu.sem_alloc : memref<!tpu.dma_semaphore, #tpu.memory_space<semaphore_mem>>
        %dma_start3A = arith.constant 0 : i32
        %dma_start3A_26 = tpu.memref_slice %arg3[%add3A, %scan3A_25, %dma_start3A] : memref<32x79x128xi32, #tpu.memory_space<hbm>> -> memref<1x1x128xi32, #tpu.memory_space<hbm>>
        %dma_start3A_27 = tpu.memref_squeeze %dma_start3A_26 : memref<1x1x128xi32, #tpu.memory_space<hbm>> -> memref<128xi32, #tpu.memory_space<hbm>>
        %dma_start3A_28 = arith.constant 0 : i32
        %dma_start3A_29 = tpu.memref_slice %arg3[%add3A, %scan3A_25, %dma_start3A_28] : memref<32x79x128xi32, #tpu.memory_space<hbm>> -> memref<1x1x128xi32, #tpu.memory_space<hbm>>
        %dma_start3A_30 = tpu.memref_squeeze %dma_start3A_29 : memref<1x1x128xi32, #tpu.memory_space<hbm>> -> memref<128xi32, #tpu.memory_space<hbm>>
        tpu.enqueue_dma source(%dma_start3A_30 : memref<128xi32, #tpu.memory_space<hbm>>) target(%arg6 : memref<128xi32, #tpu.memory_space<vmem>>) target_semaphore(%run_scoped3A : memref<!tpu.dma_semaphore, #tpu.memory_space<semaphore_mem>>)
        %dma_wait3A = arith.constant 0 : i32
        %dma_wait3A_31 = tpu.memref_slice %arg3[%add3A, %scan3A_25, %dma_wait3A] : memref<32x79x128xi32, #tpu.memory_space<hbm>> -> memref<1x1x128xi32, #tpu.memory_space<hbm>>
        %dma_wait3A_32 = tpu.memref_squeeze %dma_wait3A_31 : memref<1x1x128xi32, #tpu.memory_space<hbm>> -> memref<128xi32, #tpu.memory_space<hbm>>
        %dma_wait3A_33 = arith.constant 0 : i32
        %dma_wait3A_34 = tpu.memref_slice %arg3[%add3A, %scan3A_25, %dma_wait3A_33] : memref<32x79x128xi32, #tpu.memory_space<hbm>> -> memref<1x1x128xi32, #tpu.memory_space<hbm>>
        %dma_wait3A_35 = tpu.memref_squeeze %dma_wait3A_34 : memref<1x1x128xi32, #tpu.memory_space<hbm>> -> memref<128xi32, #tpu.memory_space<hbm>>
        tpu.wait_dma2 semaphore(%run_scoped3A : memref<!tpu.dma_semaphore, #tpu.memory_space<semaphore_mem>>) src(%dma_wait3A_35 : memref<128xi32, #tpu.memory_space<hbm>>) dst(%arg6 : memref<128xi32, #tpu.memory_space<vmem>>)
        tpu.yield
      }) : () -> ()
      "tpu.region"() ({
        %run_scoped3A = tpu.sem_alloc : memref<!tpu.dma_semaphore, #tpu.memory_space<semaphore_mem>>
        %dma_start3A = arith.constant 0 : i32
        %dma_start3A_26 = tpu.memref_slice %arg4[%add3A, %scan3A_25, %dma_start3A] : memref<32x79x128xi32, #tpu.memory_space<hbm>> -> memref<1x1x128xi32, #tpu.memory_space<hbm>>
        %dma_start3A_27 = tpu.memref_squeeze %dma_start3A_26 : memref<1x1x128xi32, #tpu.memory_space<hbm>> -> memref<128xi32, #tpu.memory_space<hbm>>
        %dma_start3A_28 = arith.constant 0 : i32
        %dma_start3A_29 = tpu.memref_slice %arg4[%add3A, %scan3A_25, %dma_start3A_28] : memref<32x79x128xi32, #tpu.memory_space<hbm>> -> memref<1x1x128xi32, #tpu.memory_space<hbm>>
        %dma_start3A_30 = tpu.memref_squeeze %dma_start3A_29 : memref<1x1x128xi32, #tpu.memory_space<hbm>> -> memref<128xi32, #tpu.memory_space<hbm>>
        tpu.enqueue_dma source(%dma_start3A_30 : memref<128xi32, #tpu.memory_space<hbm>>) target(%arg7 : memref<128xi32, #tpu.memory_space<vmem>>) target_semaphore(%run_scoped3A : memref<!tpu.dma_semaphore, #tpu.memory_space<semaphore_mem>>)
        %dma_wait3A = arith.constant 0 : i32
        %dma_wait3A_31 = tpu.memref_slice %arg4[%add3A, %scan3A_25, %dma_wait3A] : memref<32x79x128xi32, #tpu.memory_space<hbm>> -> memref<1x1x128xi32, #tpu.memory_space<hbm>>
        %dma_wait3A_32 = tpu.memref_squeeze %dma_wait3A_31 : memref<1x1x128xi32, #tpu.memory_space<hbm>> -> memref<128xi32, #tpu.memory_space<hbm>>
        %dma_wait3A_33 = arith.constant 0 : i32
        %dma_wait3A_34 = tpu.memref_slice %arg4[%add3A, %scan3A_25, %dma_wait3A_33] : memref<32x79x128xi32, #tpu.memory_space<hbm>> -> memref<1x1x128xi32, #tpu.memory_space<hbm>>
        %dma_wait3A_35 = tpu.memref_squeeze %dma_wait3A_34 : memref<1x1x128xi32, #tpu.memory_space<hbm>> -> memref<128xi32, #tpu.memory_space<hbm>>
        tpu.wait_dma2 semaphore(%run_scoped3A : memref<!tpu.dma_semaphore, #tpu.memory_space<semaphore_mem>>) src(%dma_wait3A_35 : memref<128xi32, #tpu.memory_space<hbm>>) dst(%arg7 : memref<128xi32, #tpu.memory_space<vmem>>)
        tpu.yield
      }) : () -> ()
      "tpu.region"() ({
        %run_scoped3A = tpu.sem_alloc : memref<!tpu.dma_semaphore, #tpu.memory_space<semaphore_mem>>
        %dma_start3A = arith.constant 0 : i32
        %dma_start3A_26 = arith.constant 0 : i32
        %dma_start3A_27 = tpu.memref_slice %arg2[%dma_start3A, %dma_start3A_26] : memref<10000x128xf32, #tpu.memory_space<hbm>> -> memref<10000x128xf32, #tpu.memory_space<hbm>>
        tpu.enqueue_indirect_dma source(%dma_start3A_27 : memref<10000x128xf32, #tpu.memory_space<hbm>>) target(%arg8 : memref<128x128xf32, #tpu.memory_space<vmem>>) offsets(%arg6 : memref<128xi32, #tpu.memory_space<vmem>>) semaphore(%run_scoped3A : memref<!tpu.dma_semaphore, #tpu.memory_space<semaphore_mem>>)
        %dma_wait3A = arith.constant 0 : i32
        %dma_wait3A_28 = arith.constant 0 : i32
        %dma_wait3A_29 = tpu.memref_slice %arg2[%dma_wait3A, %dma_wait3A_28] : memref<10000x128xf32, #tpu.memory_space<hbm>> -> memref<10000x128xf32, #tpu.memory_space<hbm>>
        tpu.wait_indirect_dma semaphore(%run_scoped3A : memref<!tpu.dma_semaphore, #tpu.memory_space<semaphore_mem>>) src(%dma_wait3A_29 : memref<10000x128xf32, #tpu.memory_space<hbm>>) dst(%arg8 : memref<128x128xf32, #tpu.memory_space<vmem>>)
        tpu.yield
      }) : () -> ()
      "tpu.region"() ({
        %run_scoped3A = tpu.sem_alloc : memref<!tpu.dma_semaphore, #tpu.memory_space<semaphore_mem>>
        %dma_start3A = arith.constant 0 : i32
        %dma_start3A_26 = arith.constant 0 : i32
        %dma_start3A_27 = tpu.memref_slice %arg9[%dma_start3A, %dma_start3A_26] : memref<10240x128xf32, #tpu.memory_space<vmem_shared>> -> memref<10240x128xf32, #tpu.memory_space<vmem_shared>>
        tpu.enqueue_indirect_dma source(%arg8 : memref<128x128xf32, #tpu.memory_space<vmem>>) target(%dma_start3A_27 : memref<10240x128xf32, #tpu.memory_space<vmem_shared>>) offsets(%arg7 : memref<128xi32, #tpu.memory_space<vmem>>) semaphore(%run_scoped3A : memref<!tpu.dma_semaphore, #tpu.memory_space<semaphore_mem>>) {add = true}
        %dma_wait3A = arith.constant 0 : i32
        %dma_wait3A_28 = arith.constant 0 : i32
        %dma_wait3A_29 = tpu.memref_slice %arg9[%dma_wait3A, %dma_wait3A_28] : memref<10240x128xf32, #tpu.memory_space<vmem_shared>> -> memref<10240x128xf32, #tpu.memory_space<vmem_shared>>
        tpu.wait_indirect_dma semaphore(%run_scoped3A : memref<!tpu.dma_semaphore, #tpu.memory_space<semaphore_mem>>) src(%arg8 : memref<128x128xf32, #tpu.memory_space<vmem>>) dst(%dma_wait3A_29 : memref<10240x128xf32, #tpu.memory_space<vmem_shared>>)
        tpu.yield
      }) : () -> ()
    }
    %scan3A_23 = arith.constant 79 : i32
    %barrier3A_24 = arith.constant 0 : index
    tpu.barrier barrier_id(%barrier3A_24)
    "tpu.region"() ({
      %run_scoped3A = tpu.sem_alloc : memref<!tpu.dma_semaphore, #tpu.memory_space<semaphore_mem>>
      %dma_start3A = arith.constant 0 : i32
      %dma_start3A_25 = tpu.memref_slice %arg5[%arg0, %mul3A_7, %dma_start3A] : memref<2x10240x128xf32, #tpu.memory_space<hbm>> -> memref<1x640x128xf32, #tpu.memory_space<hbm>>
      %dma_start3A_26 = tpu.memref_squeeze %dma_start3A_25 : memref<1x640x128xf32, #tpu.memory_space<hbm>> -> memref<640x128xf32, #tpu.memory_space<hbm>>
      %dma_start3A_27 = arith.constant 0 : i32
      %dma_start3A_28 = tpu.memref_slice %arg9[%mul3A_7, %dma_start3A_27] : memref<10240x128xf32, #tpu.memory_space<vmem_shared>> -> memref<640x128xf32, #tpu.memory_space<vmem_shared>>
      tpu.enqueue_dma source(%dma_start3A_28 : memref<640x128xf32, #tpu.memory_space<vmem_shared>>) target(%dma_start3A_26 : memref<640x128xf32, #tpu.memory_space<hbm>>) target_semaphore(%run_scoped3A : memref<!tpu.dma_semaphore, #tpu.memory_space<semaphore_mem>>)
      %dma_wait3A = arith.constant 0 : i32
      %dma_wait3A_29 = tpu.memref_slice %arg5[%arg0, %mul3A_7, %dma_wait3A] : memref<2x10240x128xf32, #tpu.memory_space<hbm>> -> memref<1x640x128xf32, #tpu.memory_space<hbm>>
      %dma_wait3A_30 = tpu.memref_squeeze %dma_wait3A_29 : memref<1x640x128xf32, #tpu.memory_space<hbm>> -> memref<640x128xf32, #tpu.memory_space<hbm>>
      %dma_wait3A_31 = arith.constant 0 : i32
      %dma_wait3A_32 = tpu.memref_slice %arg9[%mul3A_7, %dma_wait3A_31] : memref<10240x128xf32, #tpu.memory_space<vmem_shared>> -> memref<640x128xf32, #tpu.memory_space<vmem_shared>>
      tpu.wait_dma2 semaphore(%run_scoped3A : memref<!tpu.dma_semaphore, #tpu.memory_space<semaphore_mem>>) src(%dma_wait3A_32 : memref<640x128xf32, #tpu.memory_space<vmem_shared>>) dst(%dma_wait3A_30 : memref<640x128xf32, #tpu.memory_space<hbm>>)
      tpu.yield
    }) : () -> ()
    return
  }
}

module attributes {stable_mosaic.version = 14 : i64} {
  func.func @body(%arg0: i32, %arg1: memref<1000x128xf32, #tpu.memory_space<vmem>>, %arg2: memref<128x128xf32, #tpu.memory_space<vmem>>, %arg3: memref<2x1000x128xf32, #tpu.memory_space<vmem>>, %arg4: memref<1000x128xf32, #tpu.memory_space<vmem>>, %arg5: memref<1000x16xf32, #tpu.memory_space<vmem>>) attributes {dimension_semantics = [#tpu.dimension_semantics<arbitrary>], iteration_bounds = array<i64: 10>, scalar_prefetch = 0 : i64, scratch_operands = 0 : i64, tpu.core_type = #tpu.core_type<tc>, window_params = [{transform_indices = @transform_0, window_bounds = array<i64: 1000, 128>}, {pipeline_mode = #tpu.pipeline_mode<synchronous>, transform_indices = @transform_1, window_bounds = array<i64: 128, 128>}, {transform_indices = @transform_2, window_bounds = array<i64: 2, 1000, 128>}, {transform_indices = @transform_3, window_bounds = array<i64: 1000, 128>}, {transform_indices = @transform_4, window_bounds = array<i64: 1000, 16>}]} {
    %get3A = arith.constant 0 : index
    %get3A_0 = arith.constant 0 : index
    %get3A_1 = arith.constant 0 : index
    %get3A_2 = vector.load %arg3[%get3A, %get3A_0, %get3A_1] : memref<2x1000x128xf32, #tpu.memory_space<vmem>>, vector<1x1000x1xf32>
    %get3A_3 = vector.shape_cast %get3A_2 : vector<1x1000x1xf32> to vector<1000x1xf32>
    %get3A_4 = arith.constant 1 : index
    %get3A_5 = arith.constant 0 : index
    %get3A_6 = arith.constant 0 : index
    %get3A_7 = vector.load %arg3[%get3A_4, %get3A_5, %get3A_6] : memref<2x1000x128xf32, #tpu.memory_space<vmem>>, vector<1x1000x1xf32>
    %get3A_8 = vector.shape_cast %get3A_7 : vector<1x1000x1xf32> to vector<1000x1xf32>
    %add3A = arith.addf %get3A_3, %get3A_8 : vector<1000x1xf32>
    %add3A_9 = arith.constant 1.000000e+00 : f32
    %add3A_10 = vector.broadcast %add3A_9 : f32 to vector<1000x1xf32>
    %add3A_11 = arith.addf %add3A, %add3A_10 : vector<1000x1xf32>
    %rsqrt3A = math.rsqrt %add3A_11 : vector<1000x1xf32>
    %get3A_12 = arith.constant 0 : index
    %get3A_13 = arith.constant 0 : index
    %get3A_14 = vector.load %arg1[%get3A_12, %get3A_13] : memref<1000x128xf32, #tpu.memory_space<vmem>>, vector<1000x128xf32>
    %get3A_15 = arith.constant 0 : index
    %get3A_16 = arith.constant 0 : index
    %get3A_17 = vector.load %arg2[%get3A_15, %get3A_16] : memref<128x128xf32, #tpu.memory_space<vmem>>, vector<128x128xf32>
    %dot_general3A = arith.constant dense<0.000000e+00> : vector<1000x128xf32>
    %dot_general3A_18 = tpu.matmul %get3A_14, %get3A_17, %dot_general3A {dimension_numbers = #tpu.dot_dimension_numbers<[1], [0], [0], [1], [0, 0, 1, 1], [], []>, transpose_lhs_hint = false} : vector<1000x128xf32>, vector<128x128xf32>, vector<1000x128xf32> -> vector<1000x128xf32>
    %mul3A = vector.broadcast %rsqrt3A : vector<1000x1xf32> to vector<1000x128xf32>
    %mul3A_19 = arith.mulf %dot_general3A_18, %mul3A : vector<1000x128xf32>
    %swap3A = arith.constant 0 : index
    %swap3A_20 = arith.constant 0 : index
    %swap3A_21 = vector.load %arg4[%swap3A, %swap3A_20] : memref<1000x128xf32, #tpu.memory_space<vmem>>, vector<1000x128xf32>
    tpu.vector_store %arg4[%swap3A, %swap3A_20], %mul3A_19 {strides = array<i32>} : memref<1000x128xf32, #tpu.memory_space<vmem>>, vector<1000x128xf32>,
    %broadcast_in_dim3A = vector.shape_cast %rsqrt3A : vector<1000x1xf32> to vector<1000x1xf32>
    %broadcast_in_dim3A_22 = vector.broadcast %broadcast_in_dim3A : vector<1000x1xf32> to vector<1000x16xf32>
    %swap3A_23 = arith.constant 0 : index
    %swap3A_24 = arith.constant 0 : index
    %swap3A_25 = vector.load %arg5[%swap3A_23, %swap3A_24] : memref<1000x16xf32, #tpu.memory_space<vmem>>, vector<1000x16xf32>
    tpu.vector_store %arg5[%swap3A_23, %swap3A_24], %broadcast_in_dim3A_22 {strides = array<i32>} : memref<1000x16xf32, #tpu.memory_space<vmem>>, vector<1000x16xf32>,
    return
  }
  func.func @transform_0(%arg0: i32) -> (i32, i32) {
    %c0_i32 = arith.constant 0 : i32
    %c0_i32_0 = arith.constant 0 : i32
    return %arg0, %c0_i32 : i32, i32
  }
  func.func @transform_1(%arg0: i32) -> (i32, i32) {
    %c0_i32 = arith.constant 0 : i32
    %c0_i32_0 = arith.constant 0 : i32
    %c0_i32_1 = arith.constant 0 : i32
    return %c0_i32, %c0_i32_0 : i32, i32
  }
  func.func @transform_2(%arg0: i32) -> (i32, i32, i32) {
    %c0_i32 = arith.constant 0 : i32
    %c0_i32_0 = arith.constant 0 : i32
    %c0_i32_1 = arith.constant 0 : i32
    return %c0_i32, %arg0, %c0_i32_0 : i32, i32, i32
  }
  func.func @transform_3(%arg0: i32) -> (i32, i32) {
    %c0_i32 = arith.constant 0 : i32
    %c0_i32_0 = arith.constant 0 : i32
    return %arg0, %c0_i32 : i32, i32
  }
  func.func @transform_4(%arg0: i32) -> (i32, i32) {
    %c0_i32 = arith.constant 0 : i32
    %c0_i32_0 = arith.constant 0 : i32
    return %arg0, %c0_i32 : i32, i32
  }
}

module attributes {stable_mosaic.version = 14 : i64} {
  func.func @body(%arg0: i32, %arg1: memref<2x1000x128xf32, #tpu.memory_space<vmem>>, %arg2: memref<1000x128xf32, #tpu.memory_space<vmem>>, %arg3: memref<1000x16xf32, #tpu.memory_space<vmem>>, %arg4: memref<1x128xf32, #tpu.memory_space<vmem>>, %arg5: memref<128x128xf32, #tpu.memory_space<vmem>>, %arg6: memref<1000x128xf32, #tpu.memory_space<vmem>>) attributes {dimension_semantics = [#tpu.dimension_semantics<arbitrary>], iteration_bounds = array<i64: 10>, scalar_prefetch = 0 : i64, scratch_operands = 0 : i64, tpu.core_type = #tpu.core_type<tc>, window_params = [{transform_indices = @transform_0, window_bounds = array<i64: 2, 1000, 128>}, {transform_indices = @transform_1, window_bounds = array<i64: 1000, 128>}, {transform_indices = @transform_2, window_bounds = array<i64: 1000, 16>}, {pipeline_mode = #tpu.pipeline_mode<synchronous>, transform_indices = @transform_3, window_bounds = array<i64: 1, 128>}, {pipeline_mode = #tpu.pipeline_mode<synchronous>, transform_indices = @transform_4, window_bounds = array<i64: 128, 128>}, {transform_indices = @transform_5, window_bounds = array<i64: 1000, 128>}]} {
    %get3A = arith.constant 0 : index
    %get3A_0 = arith.constant 0 : index
    %get3A_1 = vector.load %arg3[%get3A, %get3A_0] : memref<1000x16xf32, #tpu.memory_space<vmem>>, vector<1000x1xf32>
    %get3A_2 = arith.constant 0 : index
    %get3A_3 = arith.constant 0 : index
    %get3A_4 = arith.constant 0 : index
    %get3A_5 = vector.load %arg1[%get3A_2, %get3A_3, %get3A_4] : memref<2x1000x128xf32, #tpu.memory_space<vmem>>, vector<1x1000x128xf32>
    %get3A_6 = vector.shape_cast %get3A_5 : vector<1x1000x128xf32> to vector<1000x128xf32>
    %get3A_7 = arith.constant 1 : index
    %get3A_8 = arith.constant 0 : index
    %get3A_9 = arith.constant 0 : index
    %get3A_10 = vector.load %arg1[%get3A_7, %get3A_8, %get3A_9] : memref<2x1000x128xf32, #tpu.memory_space<vmem>>, vector<1x1000x128xf32>
    %get3A_11 = vector.shape_cast %get3A_10 : vector<1x1000x128xf32> to vector<1000x128xf32>
    %add3A = arith.addf %get3A_6, %get3A_11 : vector<1000x128xf32>
    %get3A_12 = arith.constant 0 : index
    %get3A_13 = arith.constant 0 : index
    %get3A_14 = vector.load %arg2[%get3A_12, %get3A_13] : memref<1000x128xf32, #tpu.memory_space<vmem>>, vector<1000x128xf32>
    %add3A_15 = arith.addf %add3A, %get3A_14 : vector<1000x128xf32>
    %mul3A = vector.broadcast %get3A_1 : vector<1000x1xf32> to vector<1000x128xf32>
    %mul3A_16 = arith.mulf %mul3A, %add3A_15 : vector<1000x128xf32>
    %get3A_17 = arith.constant 0 : index
    %get3A_18 = arith.constant 0 : index
    %get3A_19 = vector.load %arg4[%get3A_17, %get3A_18] : memref<1x128xf32, #tpu.memory_space<vmem>>, vector<1x128xf32>
    %add3A_20 = vector.broadcast %get3A_19 : vector<1x128xf32> to vector<1000x128xf32>
    %add3A_21 = arith.addf %mul3A_16, %add3A_20 : vector<1000x128xf32>
    %max3A = arith.constant 0.000000e+00 : f32
    %max3A_22 = vector.broadcast %max3A : f32 to vector<1000x128xf32>
    %max3A_23 = arith.maximumf %add3A_21, %max3A_22 : vector<1000x128xf32>
    %get3A_24 = arith.constant 0 : index
    %get3A_25 = arith.constant 0 : index
    %get3A_26 = vector.load %arg5[%get3A_24, %get3A_25] : memref<128x128xf32, #tpu.memory_space<vmem>>, vector<128x128xf32>
    %dot_general3A = arith.constant dense<0.000000e+00> : vector<1000x128xf32>
    %dot_general3A_27 = tpu.matmul %max3A_23, %get3A_26, %dot_general3A {dimension_numbers = #tpu.dot_dimension_numbers<[1], [0], [0], [1], [0, 0, 1, 1], [], []>, transpose_lhs_hint = false} : vector<1000x128xf32>, vector<128x128xf32>, vector<1000x128xf32> -> vector<1000x128xf32>
    %mul3A_28 = vector.broadcast %get3A_1 : vector<1000x1xf32> to vector<1000x128xf32>
    %mul3A_29 = arith.mulf %dot_general3A_27, %mul3A_28 : vector<1000x128xf32>
    %swap3A = arith.constant 0 : index
    %swap3A_30 = arith.constant 0 : index
    %swap3A_31 = vector.load %arg6[%swap3A, %swap3A_30] : memref<1000x128xf32, #tpu.memory_space<vmem>>, vector<1000x128xf32>
    tpu.vector_store %arg6[%swap3A, %swap3A_30], %mul3A_29 {strides = array<i32>} : memref<1000x128xf32, #tpu.memory_space<vmem>>, vector<1000x128xf32>,
    return
  }
  func.func @transform_0(%arg0: i32) -> (i32, i32, i32) {
    %c0_i32 = arith.constant 0 : i32
    %c0_i32_0 = arith.constant 0 : i32
    %c0_i32_1 = arith.constant 0 : i32
    return %c0_i32, %arg0, %c0_i32_0 : i32, i32, i32
  }
  func.func @transform_1(%arg0: i32) -> (i32, i32) {
    %c0_i32 = arith.constant 0 : i32
    %c0_i32_0 = arith.constant 0 : i32
    return %arg0, %c0_i32 : i32, i32
  }
  func.func @transform_2(%arg0: i32) -> (i32, i32) {
    %c0_i32 = arith.constant 0 : i32
    %c0_i32_0 = arith.constant 0 : i32
    return %arg0, %c0_i32 : i32, i32
  }
  func.func @transform_3(%arg0: i32) -> (i32, i32) {
    %c0_i32 = arith.constant 0 : i32
    %c0_i32_0 = arith.constant 0 : i32
    %c0_i32_1 = arith.constant 0 : i32
    return %c0_i32, %c0_i32_0 : i32, i32
  }
  func.func @transform_4(%arg0: i32) -> (i32, i32) {
    %c0_i32 = arith.constant 0 : i32
    %c0_i32_0 = arith.constant 0 : i32
    %c0_i32_1 = arith.constant 0 : i32
    return %c0_i32, %c0_i32_0 : i32, i32
  }
  func.func @transform_5(%arg0: i32) -> (i32, i32) {
    %c0_i32 = arith.constant 0 : i32
    %c0_i32_0 = arith.constant 0 : i32
    return %arg0, %c0_i32 : i32, i32
  }
}

module attributes {stable_mosaic.version = 14 : i64} {
  func.func @body(%arg0: i32, %arg1: memref<2x1000x128xf32, #tpu.memory_space<vmem>>, %arg2: memref<1000x128xf32, #tpu.memory_space<vmem>>, %arg3: memref<1000x16xf32, #tpu.memory_space<vmem>>, %arg4: memref<1x128xf32, #tpu.memory_space<vmem>>, %arg5: memref<128x128xf32, #tpu.memory_space<vmem>>, %arg6: memref<1x128xf32, #tpu.memory_space<vmem>>, %arg7: memref<128x128xf32, #tpu.memory_space<vmem>>, %arg8: memref<1x128xf32, #tpu.memory_space<vmem>>, %arg9: memref<128x8xf32, #tpu.memory_space<vmem>>, %arg10: memref<1x8xf32, #tpu.memory_space<vmem>>, %arg11: memref<1000x8xf32, #tpu.memory_space<vmem>>) attributes {dimension_semantics = [#tpu.dimension_semantics<arbitrary>], iteration_bounds = array<i64: 10>, scalar_prefetch = 0 : i64, scratch_operands = 0 : i64, tpu.core_type = #tpu.core_type<tc>, window_params = [{transform_indices = @transform_0, window_bounds = array<i64: 2, 1000, 128>}, {transform_indices = @transform_1, window_bounds = array<i64: 1000, 128>}, {transform_indices = @transform_2, window_bounds = array<i64: 1000, 16>}, {pipeline_mode = #tpu.pipeline_mode<synchronous>, transform_indices = @transform_3, window_bounds = array<i64: 1, 128>}, {pipeline_mode = #tpu.pipeline_mode<synchronous>, transform_indices = @transform_4, window_bounds = array<i64: 128, 128>}, {pipeline_mode = #tpu.pipeline_mode<synchronous>, transform_indices = @transform_5, window_bounds = array<i64: 1, 128>}, {pipeline_mode = #tpu.pipeline_mode<synchronous>, transform_indices = @transform_6, window_bounds = array<i64: 128, 128>}, {pipeline_mode = #tpu.pipeline_mode<synchronous>, transform_indices = @transform_7, window_bounds = array<i64: 1, 128>}, {pipeline_mode = #tpu.pipeline_mode<synchronous>, transform_indices = @transform_8, window_bounds = array<i64: 128, 8>}, {pipeline_mode = #tpu.pipeline_mode<synchronous>, transform_indices = @transform_9, window_bounds = array<i64: 1, 8>}, {transform_indices = @transform_10, window_bounds = array<i64: 1000, 8>}]} {
    %get3A = arith.constant 0 : index
    %get3A_0 = arith.constant 0 : index
    %get3A_1 = vector.load %arg3[%get3A, %get3A_0] : memref<1000x16xf32, #tpu.memory_space<vmem>>, vector<1000x1xf32>
    %get3A_2 = arith.constant 0 : index
    %get3A_3 = arith.constant 0 : index
    %get3A_4 = arith.constant 0 : index
    %get3A_5 = vector.load %arg1[%get3A_2, %get3A_3, %get3A_4] : memref<2x1000x128xf32, #tpu.memory_space<vmem>>, vector<1x1000x128xf32>
    %get3A_6 = vector.shape_cast %get3A_5 : vector<1x1000x128xf32> to vector<1000x128xf32>
    %get3A_7 = arith.constant 1 : index
    %get3A_8 = arith.constant 0 : index
    %get3A_9 = arith.constant 0 : index
    %get3A_10 = vector.load %arg1[%get3A_7, %get3A_8, %get3A_9] : memref<2x1000x128xf32, #tpu.memory_space<vmem>>, vector<1x1000x128xf32>
    %get3A_11 = vector.shape_cast %get3A_10 : vector<1x1000x128xf32> to vector<1000x128xf32>
    %add3A = arith.addf %get3A_6, %get3A_11 : vector<1000x128xf32>
    %get3A_12 = arith.constant 0 : index
    %get3A_13 = arith.constant 0 : index
    %get3A_14 = vector.load %arg2[%get3A_12, %get3A_13] : memref<1000x128xf32, #tpu.memory_space<vmem>>, vector<1000x128xf32>
    %add3A_15 = arith.addf %add3A, %get3A_14 : vector<1000x128xf32>
    %mul3A = vector.broadcast %get3A_1 : vector<1000x1xf32> to vector<1000x128xf32>
    %mul3A_16 = arith.mulf %mul3A, %add3A_15 : vector<1000x128xf32>
    %get3A_17 = arith.constant 0 : index
    %get3A_18 = arith.constant 0 : index
    %get3A_19 = vector.load %arg4[%get3A_17, %get3A_18] : memref<1x128xf32, #tpu.memory_space<vmem>>, vector<1x128xf32>
    %add3A_20 = vector.broadcast %get3A_19 : vector<1x128xf32> to vector<1000x128xf32>
    %add3A_21 = arith.addf %mul3A_16, %add3A_20 : vector<1000x128xf32>
    %max3A = arith.constant 0.000000e+00 : f32
    %max3A_22 = vector.broadcast %max3A : f32 to vector<1000x128xf32>
    %max3A_23 = arith.maximumf %add3A_21, %max3A_22 : vector<1000x128xf32>
    %get3A_24 = arith.constant 0 : index
    %get3A_25 = arith.constant 0 : index
    %get3A_26 = vector.load %arg5[%get3A_24, %get3A_25] : memref<128x128xf32, #tpu.memory_space<vmem>>, vector<128x128xf32>
    %dot_general3A = arith.constant dense<0.000000e+00> : vector<1000x128xf32>
    %dot_general3A_27 = tpu.matmul %max3A_23, %get3A_26, %dot_general3A {dimension_numbers = #tpu.dot_dimension_numbers<[1], [0], [0], [1], [0, 0, 1, 1], [], []>, transpose_lhs_hint = false} : vector<1000x128xf32>, vector<128x128xf32>, vector<1000x128xf32> -> vector<1000x128xf32>
    %get3A_28 = arith.constant 0 : index
    %get3A_29 = arith.constant 0 : index
    %get3A_30 = vector.load %arg6[%get3A_28, %get3A_29] : memref<1x128xf32, #tpu.memory_space<vmem>>, vector<1x128xf32>
    %add3A_31 = vector.broadcast %get3A_30 : vector<1x128xf32> to vector<1000x128xf32>
    %add3A_32 = arith.addf %dot_general3A_27, %add3A_31 : vector<1000x128xf32>
    %max3A_33 = arith.constant 0.000000e+00 : f32
    %max3A_34 = vector.broadcast %max3A_33 : f32 to vector<1000x128xf32>
    %max3A_35 = arith.maximumf %add3A_32, %max3A_34 : vector<1000x128xf32>
    %get3A_36 = arith.constant 0 : index
    %get3A_37 = arith.constant 0 : index
    %get3A_38 = vector.load %arg7[%get3A_36, %get3A_37] : memref<128x128xf32, #tpu.memory_space<vmem>>, vector<128x128xf32>
    %dot_general3A_39 = arith.constant dense<0.000000e+00> : vector<1000x128xf32>
    %dot_general3A_40 = tpu.matmul %max3A_35, %get3A_38, %dot_general3A_39 {dimension_numbers = #tpu.dot_dimension_numbers<[1], [0], [0], [1], [0, 0, 1, 1], [], []>, transpose_lhs_hint = false} : vector<1000x128xf32>, vector<128x128xf32>, vector<1000x128xf32> -> vector<1000x128xf32>
    %get3A_41 = arith.constant 0 : index
    %get3A_42 = arith.constant 0 : index
    %get3A_43 = vector.load %arg8[%get3A_41, %get3A_42] : memref<1x128xf32, #tpu.memory_space<vmem>>, vector<1x128xf32>
    %add3A_44 = vector.broadcast %get3A_43 : vector<1x128xf32> to vector<1000x128xf32>
    %add3A_45 = arith.addf %dot_general3A_40, %add3A_44 : vector<1000x128xf32>
    %max3A_46 = arith.constant 0.000000e+00 : f32
    %max3A_47 = vector.broadcast %max3A_46 : f32 to vector<1000x128xf32>
    %max3A_48 = arith.maximumf %add3A_45, %max3A_47 : vector<1000x128xf32>
    %get3A_49 = arith.constant 0 : index
    %get3A_50 = arith.constant 0 : index
    %get3A_51 = vector.load %arg9[%get3A_49, %get3A_50] : memref<128x8xf32, #tpu.memory_space<vmem>>, vector<128x8xf32>
    %dot_general3A_52 = arith.constant dense<0.000000e+00> : vector<1000x8xf32>
    %dot_general3A_53 = tpu.matmul %max3A_48, %get3A_51, %dot_general3A_52 {dimension_numbers = #tpu.dot_dimension_numbers<[1], [0], [0], [1], [0, 0, 1, 1], [], []>, transpose_lhs_hint = false} : vector<1000x128xf32>, vector<128x8xf32>, vector<1000x8xf32> -> vector<1000x8xf32>
    %get3A_54 = arith.constant 0 : index
    %get3A_55 = arith.constant 0 : index
    %get3A_56 = vector.load %arg10[%get3A_54, %get3A_55] : memref<1x8xf32, #tpu.memory_space<vmem>>, vector<1x8xf32>
    %add3A_57 = vector.broadcast %get3A_56 : vector<1x8xf32> to vector<1000x8xf32>
    %add3A_58 = arith.addf %dot_general3A_53, %add3A_57 : vector<1000x8xf32>
    %swap3A = arith.constant 0 : index
    %swap3A_59 = arith.constant 0 : index
    %swap3A_60 = vector.load %arg11[%swap3A, %swap3A_59] : memref<1000x8xf32, #tpu.memory_space<vmem>>, vector<1000x8xf32>
    tpu.vector_store %arg11[%swap3A, %swap3A_59], %add3A_58 {strides = array<i32>} : memref<1000x8xf32, #tpu.memory_space<vmem>>, vector<1000x8xf32>,
    return
  }
  func.func @transform_0(%arg0: i32) -> (i32, i32, i32) {
    %c0_i32 = arith.constant 0 : i32
    %c0_i32_0 = arith.constant 0 : i32
    %c0_i32_1 = arith.constant 0 : i32
    return %c0_i32, %arg0, %c0_i32_0 : i32, i32, i32
  }
  func.func @transform_1(%arg0: i32) -> (i32, i32) {
    %c0_i32 = arith.constant 0 : i32
    %c0_i32_0 = arith.constant 0 : i32
    return %arg0, %c0_i32 : i32, i32
  }
  func.func @transform_2(%arg0: i32) -> (i32, i32) {
    %c0_i32 = arith.constant 0 : i32
    %c0_i32_0 = arith.constant 0 : i32
    return %arg0, %c0_i32 : i32, i32
  }
  func.func @transform_3(%arg0: i32) -> (i32, i32) {
    %c0_i32 = arith.constant 0 : i32
    %c0_i32_0 = arith.constant 0 : i32
    %c0_i32_1 = arith.constant 0 : i32
    return %c0_i32, %c0_i32_0 : i32, i32
  }
  func.func @transform_4(%arg0: i32) -> (i32, i32) {
    %c0_i32 = arith.constant 0 : i32
    %c0_i32_0 = arith.constant 0 : i32
    %c0_i32_1 = arith.constant 0 : i32
    return %c0_i32, %c0_i32_0 : i32, i32
  }
  func.func @transform_5(%arg0: i32) -> (i32, i32) {
    %c0_i32 = arith.constant 0 : i32
    %c0_i32_0 = arith.constant 0 : i32
    %c0_i32_1 = arith.constant 0 : i32
    return %c0_i32, %c0_i32_0 : i32, i32
  }
  func.func @transform_6(%arg0: i32) -> (i32, i32) {
    %c0_i32 = arith.constant 0 : i32
    %c0_i32_0 = arith.constant 0 : i32
    %c0_i32_1 = arith.constant 0 : i32
    return %c0_i32, %c0_i32_0 : i32, i32
  }
  func.func @transform_7(%arg0: i32) -> (i32, i32) {
    %c0_i32 = arith.constant 0 : i32
    %c0_i32_0 = arith.constant 0 : i32
    %c0_i32_1 = arith.constant 0 : i32
    return %c0_i32, %c0_i32_0 : i32, i32
  }
  func.func @transform_8(%arg0: i32) -> (i32, i32) {
    %c0_i32 = arith.constant 0 : i32
    %c0_i32_0 = arith.constant 0 : i32
    %c0_i32_1 = arith.constant 0 : i32
    return %c0_i32, %c0_i32_0 : i32, i32
  }
  func.func @transform_9(%arg0: i32) -> (i32, i32) {
    %c0_i32 = arith.constant 0 : i32
    %c0_i32_0 = arith.constant 0 : i32
    %c0_i32_1 = arith.constant 0 : i32
    return %c0_i32, %c0_i32_0 : i32, i32
  }
  func.func @transform_10(%arg0: i32) -> (i32, i32) {
    %c0_i32 = arith.constant 0 : i32
    %c0_i32_0 = arith.constant 0 : i32
    return %arg0, %c0_i32 : i32, i32
  }
}

</mosaic_0001>

<sc_bundles>
// kernel: kernel.11.cloned.1.call-start
scs
__scs_entry_jumppad:
0x0: {  	(pc) =	sbr.rel $0x88, $3  }
0x1: {  	(tag) =	ssettag $0x0;
	lr =	simm.s32 $0x1  }
0x2: {  	[smem:$0x3F95] =	sst lr;
	_ =	strace $0xD0000000  }
0x3: {  	_ = 	snop  }
0x4: {  	_ = 	snop  }
0x5: {  	_ = 	snop  }
0x6: {  	_ = 	snop  }
0x7: {  	_ = 	snop  }
__scs_overlays_trampoline_lowered:
0x8: {  	[smem:$0x3FA4] =	sst s0  }
0x9: {  	[smem:$0x3FA5] =	sst s1  }
0xa: {  	[smem:$0x3FA6] =	sst s2  }
0xb: {  	[smem:$0x3FA7] =	sst s3  }
0xc: {  	[smem:$0x3FA8] =	sst s4  }
0xd: {  	[smem:$0x3FA9] =	sst s5  }
0xe: {  	[smem:$0x3FAA] =	sst s6  }
0xf: {  	[smem:$0x3FAB] =	sst s7  }
0x10: {  	[smem:$0x3FAC] =	sst s8  }
0x11: {  	[smem:$0x3FAD] =	sst s9;
	s0 =	simm.s32 @!p0 $0x0  }
0x12: {  	s1 =	sld [smem:$0x3F93];
	s0 =	simm.s32 @p0 $0x1  }
0x13: {  	[smem:$0x3FAE] =	sst s0;
	s0 =	simm.s32 @!p1 $0x0  }
0x14: {  	s2 =	sld [smem:$0x3F92];
	s0 =	simm.s32 @p1 $0x1  }
0x15: {  	[smem:$0x3FAF] =	sst s0;
	s0 =	simm.s32 @!p2 $0x0  }
0x16: {  	s3 =	sld [smem:$0x3FDB];
	s0 =	simm.s32 @p2 $0x1  }
0x17: {  	s4 =	simm.s32 $0x1BF5;
	[smem:$0x3FB1] =	sst s0  }
0x18: {  	s0 =	sld [smem:$0x3F94];
	_ =	swait.ge [sflag:s4], $0x0  }
0x19: {  	s7 =	sld [smem:$0x3F95]  }
0x1a: {  	s8 =	sadd.s32 $0xFFFFE003, lr  }
0x1b: {  	s9 =	sadd.s32 $0xFFFFFEF7, lr;
	s5 =	simm.s32 $0xFFFFFFFF;
	p2 =	slt.u32 s8, $0xFFFFF086  }
0x1c: {  	p1 =	slt.u32 s9, $0xF7A;
	s5 =	simm.s32 @!p2 $0x0  }
0x1d: {  	s5 =	simm.s32 @p1 $0x1;
	p0 =	seq.s32 s7, s2  }
0x1e: {  	s7 =	smul.u32 @!p0 $0xF7A, s2;
	p2 =	seq.s32 @!p0 s5, $0x0  }
0x1f: {  	s9 =	smul.u32 $0xF7A, s1;
	s8 =	simm.s32 @!p0 $0x1BF5;
	p2 =	por !p2, p0  }
0x20: {  	[sflag:s8] =	ssyncset.s32 @!p0 $0xFFFFF086;
	s6 =	sadd.s32 @!p0 s3, s7;
	s7 =	simm.s32 @!p0 $0x108  }
0x21: {  	s3 =	sadd.s32 s3, s9;
	s6 =	sadd.s32 @!p0 $0x88, s6;
	s7 =	simm.s32 @p2 $0x1082  }
0x22: {  	[simem:s7], [sflag:s8] =	dma.local @!p0 [hbm:s6], $0xF7A  }
0x23: {  	s9 =	sor.u32 $0xD0000000, s2;
	s6 =	simm.s32 $0x108;
	_ =	swait.ge @!p0 [sflag:s8], $0x0  }
0x24: {  	s3 =	sadd.s32 $0x88, s3;
	s6 =	simm.s32 @!p1 $0x1082;
	[sflag:s4] =	ssyncset.s32 $0xFFFFF086  }
0x25: {  	[simem:s6], [sflag:s4] =	dma.local [hbm:s3], $0xF7A  }
0x26: {  	[smem:$0x3F95] =	sst s1;
	(tag) =	ssettag s2;
	_ =	strace s9  }
0x27: {  	s1 =	sld [smem:$0x3FA5]  }
0x28: {  	s2 =	sld [smem:$0x3FA6]  }
0x29: {  	s4 =	sld [smem:$0x3FA8]  }
0x2a: {  	p0 =	seq.s32 s5, $0x0;
	s5 =	sld [smem:$0x3FA9]  }
0x2b: {  	s6 =	sld [smem:$0x3FAA]  }
0x2c: {  	s7 =	sld [smem:$0x3FAB]  }
0x2d: {  	s3 =	simm.s32 $0x108;
	s8 =	sld [smem:$0x3FAC]  }
0x2e: {  	s3 =	simm.s32 @!p0 $0x1082;
	s9 =	sld [smem:$0x3FAD]  }
0x2f: {  	lr =	sadd.s32 s0, s3;
	s0 =	sld [smem:$0x3FA4]  }
0x30: {  	s3 =	sld [smem:$0x3FA7]  }
0x31: {  	[smem:$0x3FB0] =	sst s10  }
0x32: {  	s10 =	sld [smem:$0x3FAE];
	_ =	sdelay $0x3  }
0x33: {  	p0 =	seq.s32 s10, $0x1;
	s10 =	sld [smem:$0x3FB0];
	_ =	sdelay $0x3  }
0x34: {  	[smem:$0x3FB0] =	sst s10  }
0x35: {  	s10 =	sld [smem:$0x3FAF];
	_ =	sdelay $0x3  }
0x36: {  	p1 =	seq.s32 s10, $0x1;
	s10 =	sld [smem:$0x3FB0];
	_ =	sdelay $0x3  }
0x37: {  	[smem:$0x3FB0] =	sst s10  }
0x38: {  	s10 =	sld [smem:$0x3FB1]  }
0x39: {  	_ = 	snop;
	(pc) =	sbr.ind lr, $3  }
0x3a: {  	_ = 	snop  }
0x3b: {  	_ = 	snop  }
0x3c: {  	p2 =	seq.s32 s10, $0x1;
	s10 =	sld [smem:$0x3FB0]  }
0x3d: {  	_ =	shalt  }
0x3e: {  	_ =	shalt  }
0x3f: {  	_ =	shalt  }
0x40: {  	_ =	shalt  }
0x41: {  	_ =	shalt  }
0x42: {  	_ =	shalt  }
0x43: {  	_ =	shalt  }
0x44: {  	_ =	shalt  }
0x45: {  	_ =	shalt  }
0x46: {  	_ =	shalt  }
0x47: {  	_ =	shalt  }
0x48: {  	_ =	shalt  }
0x49: {  	_ =	shalt  }
0x4a: {  	_ =	shalt  }
0x4b: {  	_ =	shalt  }
0x4c: {  	_ =	shalt  }
0x4d: {  	_ =	shalt  }
0x4e: {  	_ =	shalt  }
0x4f: {  	_ =	shalt  }
0x50: {  	_ =	shalt  }
0x51: {  	_ =	shalt  }
0x52: {  	_ =	shalt  }
0x53: {  	_ =	shalt  }
0x54: {  	_ =	shalt  }
0x55: {  	_ =	shalt  }
0x56: {  	_ =	shalt  }
0x57: {  	_ =	shalt  }
0x58: {  	_ =	shalt  }
0x59: {  	_ =	shalt  }
0x5a: {  	_ =	shalt  }
0x5b: {  	_ =	shalt  }
0x5c: {  	_ =	shalt  }
0x5d: {  	_ =	shalt  }
0x5e: {  	_ =	shalt  }
0x5f: {  	_ =	shalt  }
0x60: {  	_ =	shalt  }
0x61: {  	_ =	shalt  }
0x62: {  	_ =	shalt  }
0x63: {  	_ =	shalt  }
0x64: {  	_ =	shalt  }
0x65: {  	_ =	shalt  }
0x66: {  	_ =	shalt  }
0x67: {  	_ =	shalt  }
0x68: {  	_ =	shalt  }
0x69: {  	_ =	shalt  }
0x6a: {  	_ =	shalt  }
0x6b: {  	_ =	shalt  }
0x6c: {  	_ =	shalt  }
0x6d: {  	_ =	shalt  }
0x6e: {  	_ =	shalt  }
0x6f: {  	_ =	shalt  }
0x70: {  	_ =	shalt  }
0x71: {  	_ =	shalt  }
0x72: {  	_ =	shalt  }
0x73: {  	_ =	shalt  }
0x74: {  	_ =	shalt  }
0x75: {  	_ =	shalt  }
0x76: {  	_ =	shalt  }
0x77: {  	_ =	shalt  }
0x78: {  	_ =	shalt  }
0x79: {  	_ =	shalt  }
0x7a: {  	_ =	shalt  }
0x7b: {  	_ =	shalt  }
0x7c: {  	_ =	shalt  }
0x7d: {  	_ =	shalt  }
0x7e: {  	_ =	shalt  }
0x7f: {  	_ =	shalt  }
0x80: {  	_ =	shalt  }
0x81: {  	_ =	shalt  }
0x82: {  	_ =	shalt  }
0x83: {  	_ =	shalt  }
0x84: {  	_ =	shalt  }
0x85: {  	_ =	shalt  }
0x86: {  	_ =	shalt  }
0x87: {  	_ =	shalt  }
.Lfunc_end0:
.L_simem_size_0:
called_computation.1_lowered:
.L_overlay_start_0:
0x88: {  	s2 =	sld [smem:$0x3FD9]  }
0x89: {  	s3 =	sld [smem:$0x3FFE];
	_ =	sdelay $0x1  }
0x8a: {  	s1 =	srdreg.scid  }
0x8b: {  	s0 =	sand.u32 $0x1, s1  }
0x8c: {  	s16 =	sshll.u32 s0, $0xA;
	s2 =	sadd.s32 s3, s2  }
0x8d: {  	s2 =	sadd.s32 s2, s16  }
0x8e: {  	[smem:$0x3FBC] =	sst s2  }
0x8f: {  	_ = 	snop  }
0x90: {  	(tm) =	ssettm $0x1  }
0x91: {  	s17 =	sld [smem:$0x3FFB];
	_ =	sdelay $0x3  }
0x92: {  	_ =	strace s17  }
0x93: {  	s2 =	sld [smem:$0x3FFC];
	_ =	sdelay $0x3  }
0x94: {  	_ =	strace s2  }
0x95: {  	s2 =	sld [smem:$0x3FFD];
	_ =	sdelay $0x3  }
0x96: {  	_ =	strace s2  }
0x97: {  	_ =	strace $0x8FFFFFFF  }
0x98: {  	s18 =	sld [smem:$0x3FDB];
	_ =	sdelay $0x1  }
0x99: {  	s19 =	simm.s32 $_scs_section_size  }
0x9a: {  	s4 =	simm.s32 $_size__tile_overlayer_lowered;
	s5 =	simm.s32 $_tile_overlayer_lowered  }
0x9b: {  	s22 =	simm.s32 $0x1BFF;
	s21 =	sshll.u32 s5, $0x1;
	s2 =	sadd.s32 s19, s18  }
0x9c: {  	s6 =	simm.s32 $0x0;
	s20 =	sshll.u32 s4, $0x1;
	s4 =	sadd.s32 s21, s2  }
0x9d: {  	[timem:s6], [sflag:s22] =	dma.local [hbm:s4], s20  }
0x9e: {  	_ =	swait.ge [sflag:s22], s20  }
0x9f: {  	s3 =	ssub.s32 $0x0, s20;
	[sflag:s22] =	ssyncset.done $0x0  }
0xa0: {  	[sflag:s22] =	ssyncadd.s32 s3;
	_ =	sdelay $0x1  }
0xa1: {  	s23 =	simm.s32 $0x1B8B  }
0xa2: {  	_ =	swait.ge [sflag:s23], $0x1  }
0xa3: {  	[sflag:s23] =	ssyncset.done $0x0  }
0xa4: {  	s25 =	simm.s32 $0x1B8E;
	s24 =	sld [smem:$0x3FFE];
	[sflag:s23] =	ssyncadd.s32 $0xFFFFFFFF  }
0xa5: {  	s26 =	simm.s32 $execute0_lowered;
	[smem:$0x3FD2] =	sst s25  }
0xa6: {  	s4 =	sshll.u32 s26, $0x1;
	_ =	strace $0x80000049;
	[dreg:$0x1] =	wrdreg $0xFFFFFFFF  }
0xa7: {  	s28 =	simm.s32 $_size_execute0_lowered;
	s2 =	sadd.s32 s2, s4;
	[dreg:$0x0] =	wrdreg $0x0  }
0xa8: {  	s4 =	sshll.u32 s28, $0x1;
	[dreg:$0x2] =	wrdreg s2  }
0xa9: {  	[dreg:$0x3] =	wrdreg s4  }
0xaa: {  	[dreg:$0x4] =	wrdreg $0xC0  }
0xab: {  	_ =	task [dreg:s6], $0x5FFFF  }
0xac: {  	[dreg:$0x1] =	wrdreg $0xFFFFFFFF  }
0xad: {  	[dreg:$0x0] =	wrdreg $0x60  }
0xae: {  	[dreg:$0x2] =	wrdreg s24  }
0xaf: {  	[dreg:$0x3] =	wrdreg $0x41000  }
0xb0: {  	[dreg:$0x4] =	wrdreg $0x9  }
0xb1: {  	_ =	task.clear_ibuf [dreg:s6], $0x5FFFF;
	_ =	strace $0x90000049  }
0xb2: {  	s29 =	simm.s32 $0x9;
	_ =	strace $0x8000004B  }
0xb3: {  	_ =	swait.ge [sflag:s29], $0x1  }
0xb4: {  	[sflag:s29] =	ssyncadd.s32 $0xFFFFFFFF  }
0xb5: {  	_ =	strace $0x9000004B  }
0xb6: {  	_ =	sfence  }
0xb7: {  	s30 =	sld [smem:$0x0];
	_ =	sdelay $0x2  }
0xb8: {  	s31 =	sshll.u32 s1, $0xD;
	s1 =	sshrl.u32 s1, $0x2  }
0xb9: {  	s3 =	sand.u32 $0x4000, s31;
	s1 =	sadd.s32 s1, s30  }
0xba: {  	s0 =	sor.u32 s3, s0;
	s1 =	sshll.u32 s1, $0x11  }
0xbb: {  	s0 =	sor.u32 s1, s0  }
0xbc: {  	s0 =	sadd.s32 $0x8F2B, s0  }
0xbd: {  	[sflag:s0] =	ssyncadd.remote.s32 $0x1  }
0xbe: {  	_ =	sfence.sel $0xFFFF  }
0xbf: {  	[dreg:$0x0] =	wrdreg $0xFFFFFFFF;
	(pc) =	sbr.abs _section_cstart, $3  }
0xc0: {  	[dreg:$0x1] =	wrdreg $0xFFFFFFFF  }
0xc1: {  	_ =	task.clear_ibuf [dreg:s6], $0x2FFFF;
	_ =	strace $0x9FFFFFFF  }
0xc2: {  	(tm) =	ssettm $0x7FFFFFFF  }
0xc3: {  	_ =	shalt  }
tec
execute0_lowered:
.L_overlay_start_1:
0x0: {  	(tag) =	ssettag $0x1  }
0x1: {  	s7 =	rddreg [dreg:$0x0]  }
0x2: {  	s1 =	rddreg [dreg:$0x1];
	s2 =	srdreg.scid  }
0x3: {  	s0 =	rddreg [dreg:$0x2];
	s3 =	simm.s32 $0x0;
	s15 =	simm.s32 $0x100  }
0x4: {  	s16 =	simm.s32 $0x1;
	s17 =	simm.s32 $0x80;
	s8 =	sand.u32 $0x1, s2  }
0x5: {  	s20 =	simm.s32 $0x0;
	s2 =	stileid.u32;
	s6 =	smul.u32 $0x140000, s8  }
0x6: {  	[smem:$0x7FF] =	sst s3;
	s4 =	sadd.s32 $0xCE00, s7;
	s9 =	smul.u32 $0x14000, s2  }
0x7: {  	s5 =	sadd.s32 $0x5CE00, s7;
	_ =	strace $0x8000004A;
	s10 =	smul.u32 $0x50000, s2  }
0x8: {  	s11 =	ssub.s32 $0x2, s8;
	s8 =	sshll.u32 s8, $0x4;
	s18 =	sshll.u32 s2, $0x6  }
0x9: {  	s30 =	sshrl.u32 s11, $0x1;
	s12 =	sor.u32 s2, s8;
	s18 =	sor.u32 $0x1C01, s18  }
0xa: {  	s9 =	sadd.s32 s9, s6;
	s6 =	sadd.s32 $0x2E00, s7;
	s31 =	sshrl.u32 s10, $0x2  }
0xb: {  	s14 =	ssub.s32 s11, s30;
	s12 =	smul.u32 $0x2800, s12;
	s9 =	sshrl.u32 s9, $0x3  }
0xc: {  	s14 =	smax.u32 s14, $0x1;
	s13 =	sadd.s32 s9, s7;
	s7 =	sadd.s32 s31, s1  }
0xd: {  	s8 =	sadd.s32 $0x4000, s7;
	s9 =	sadd.s32 $0x8000, s7;
	s10 =	sadd.s32 $0xC000, s7  }
0xe: {  	v0 =	vimm.f32 $0.0e+00;
	s11 =	sadd.s32 $0x10000, s7;
	s13 =	sadd.s32 $0x66E00, s13;
	s19 =	sshrl.u32 s7, $0x3  }
.LBB2_1:
0xf: {  	s21 =	simm.s32 $0x0;
	s22 =	simm.s32 $0x200  }
.LBB2_2:
0x10: {  	p0 =	sne.s32 s22, $0xFE00;
	[tilespmem:s21+$0x170] =	vst v0  }
0x11: {  	[tilespmem:s21+$0x100] =	vst v0  }
0x12: {  	[tilespmem:s21+$0x110] =	vst v0  }
.Ltmp0:
0x13: {  	[tilespmem:s21+$0x120] =	vst v0;
	(pc) =	sbr.rel @p0 .LBB2_2-.Ltmp0, $4  }
0x14: {  	[tilespmem:s21+$0x130] =	vst v0  }
0x15: {  	[tilespmem:s21+$0x140] =	vst v0  }
0x16: {  	[tilespmem:s21+$0x150] =	vst v0  }
0x17: {  	[tilespmem:s21+$0x160] =	vst v0;
	s21 =	sshra.s32 s22, $0x2;
	s22 =	sadd.s32 $0x200, s22  }
0x18: {  	[tilespmem:s21+$0x170] =	vst v0  }
0x19: {  	[tilespmem:s21+$0x100] =	vst v0  }
0x1a: {  	[tilespmem:s21+$0x110] =	vst v0  }
0x1b: {  	[tilespmem:s21+$0x120] =	vst v0  }
0x1c: {  	[tilespmem:s21+$0x130] =	vst v0  }
0x1d: {  	[tilespmem:s21+$0x140] =	vst v0  }
0x1e: {  	[tilespmem:s21+$0x150] =	vst v0  }
0x1f: {  	[tilespmem:s21+$0x160] =	vst v0  }
0x20: {  	[spmem:s7] =	stream.linear.scatter [tilespmem:s15], [sflag:$0x1], $0x4000, $0x38;
	[tilespmem:$0x18100] =	vst v63  }
0x21: {  	_ =	swait.ge [sflag:s16], $0x4000  }
0x22: {  	[sflag:s16] =	ssyncset.done $0x0  }
0x23: {  	[sflag:s16] =	ssyncadd.s32 $0xFFFFC000  }
0x24: {  	[spmem:s8] =	stream.linear.scatter [tilespmem:s15], [sflag:$0x1], $0x4000, $0x38;
	[tilespmem:$0x18100] =	vst v63  }
0x25: {  	_ =	swait.ge [sflag:s16], $0x4000  }
0x26: {  	[sflag:s16] =	ssyncset.done $0x0  }
0x27: {  	[sflag:s16] =	ssyncadd.s32 $0xFFFFC000  }
0x28: {  	[spmem:s9] =	stream.linear.scatter [tilespmem:s15], [sflag:$0x1], $0x4000, $0x38;
	[tilespmem:$0x18100] =	vst v63  }
0x29: {  	_ =	swait.ge [sflag:s16], $0x4000  }
0x2a: {  	[sflag:s16] =	ssyncset.done $0x0  }
0x2b: {  	[sflag:s16] =	ssyncadd.s32 $0xFFFFC000  }
0x2c: {  	[spmem:s10] =	stream.linear.scatter [tilespmem:s15], [sflag:$0x1], $0x4000, $0x38;
	[tilespmem:$0x18100] =	vst v63  }
0x2d: {  	_ =	swait.ge [sflag:s16], $0x4000  }
0x2e: {  	s28 =	simm.s32 $0x0;
	[sflag:s16] =	ssyncset.done $0x0  }
0x2f: {  	s22 =	sand.u32 $0x3C00, s28;
	[sflag:s16] =	ssyncadd.s32 $0xFFFFC000  }
0x30: {  	[spmem:s11] =	stream.linear.scatter [tilespmem:s15], [sflag:$0x1], $0x4000, $0x38;
	[tilespmem:$0x18100] =	vst v63  }
0x31: {  	s21 =	sand.u32 $0x380, s28;
	s22 =	sadd.s32 s12, s22;
	_ =	swait.ge [sflag:s16], $0x4000  }
0x32: {  	s21 =	sor.u32 s21, s22;
	[sflag:s16] =	ssyncset.done $0x0  }
0x33: {  	s21 =	sshrl.u32 s21, $0x3;
	[sflag:s16] =	ssyncadd.s32 $0xFFFFC000  }
0x34: {  	s29 =	sadd.s32 s5, s21;
	[bflag:$0x0] =	sbarrier.arrive $0xFFFF  }
0x35: {  	[tilespmem:s3], [sflag:$0x1] =	stream.linear.gather [hbm4b:s29+s3], $0x80, $0x38;
	[tilespmem:$0x18100] =	vst v63  }
0x36: {  	_ =	swait.ge [sflag:s16], $0x80  }
0x37: {  	[sflag:s16] =	ssyncset.done $0x0  }
0x38: {  	s21 =	sadd.s32 s6, s21;
	[sflag:s16] =	ssyncadd.s32 $0xFFFFFF80  }
0x39: {  	[tilespmem:s17], [sflag:$0x1] =	stream.linear.gather [hbm4b:s21+s3], $0x80, $0x38;
	[tilespmem:$0x18100] =	vst v63  }
0x3a: {  	_ =	swait.ge [sflag:s16], $0x80  }
0x3b: {  	[sflag:s16] =	ssyncset.done $0x0  }
0x3c: {  	[sflag:s16] =	ssyncadd.s32 $0xFFFFFF80  }
0x3d: {  	[tilespmem:s15], [sflag:$0x1] =	stream.indirect.gather [hbm4b:s4+s17], $0x80, s3, s17, $0xb8;
	[tilespmem:$0x18100] =	vst v63  }
0x3e: {  	_ =	swait.ge [sflag:s16], $0x4000  }
0x3f: {  	s30 =	simm.s32 $0x80;
	[sflag:s16] =	ssyncset.done $0x0  }
0x40: {  	s31 =	sand.u32 $0x3C00, s30;
	[sflag:s16] =	ssyncadd.s32 $0xFFFFC000  }
0x41: {  	[spmem:s1] =	stream.indirect.scatter.add.f32 [tilespmem:s15], [sflag:$0x1], $0x80, s17, s17, $0xb8;
	[tilespmem:$0x18100] =	vst v63  }
0x42: {  	s23 =	sand.u32 $0x380, s30;
	s22 =	sadd.s32 s12, s31;
	_ =	swait.ge [sflag:s16], $0x4000  }
0x43: {  	s22 =	sor.u32 s23, s22;
	s21 =	simm.s32 $0x100;
	[sflag:s16] =	ssyncset.done $0x0  }
.LBB2_4:
0x44: {  	s22 =	sshrl.u32 s22, $0x3  }
0x45: {  	[sflag:s16] =	ssyncadd.s32 $0xFFFFC000;
	s23 =	smov.u32 s21;
	s24 =	sadd.s32 $0x80, s21  }
0x46: {  	p0 =	sne.s32 s21, $0x2700;
	s21 =	sadd.s32 s5, s22  }
0x47: {  	[tilespmem:s3], [sflag:$0x1] =	stream.linear.gather [hbm4b:s21+s3], $0x80, $0x38;
	[tilespmem:$0x18100] =	vst v63  }
0x48: {  	_ =	swait.ge [sflag:s16], $0x80  }
0x49: {  	[sflag:s16] =	ssyncset.done $0x0  }
0x4a: {  	s21 =	sadd.s32 s6, s22;
	[sflag:s16] =	ssyncadd.s32 $0xFFFFFF80  }
0x4b: {  	[tilespmem:s17], [sflag:$0x1] =	stream.linear.gather [hbm4b:s21+s3], $0x80, $0x38;
	[tilespmem:$0x18100] =	vst v63  }
0x4c: {  	_ =	swait.ge [sflag:s16], $0x80  }
0x4d: {  	[sflag:s16] =	ssyncset.done $0x0  }
0x4e: {  	[sflag:s16] =	ssyncadd.s32 $0xFFFFFF80  }
0x4f: {  	[tilespmem:s15], [sflag:$0x1] =	stream.indirect.gather [hbm4b:s4+s17], $0x80, s3, s17, $0xb8;
	[tilespmem:$0x18100] =	vst v63  }
0x50: {  	_ =	swait.ge [sflag:s16], $0x4000  }
.Ltmp1:
0x51: {  	[sflag:s16] =	ssyncset.done $0x0;
	(pc) =	sbr.rel @p0 .LBB2_4-.Ltmp1, $4  }
0x52: {  	s21 =	sand.u32 $0x3C00, s23;
	[sflag:s16] =	ssyncadd.s32 $0xFFFFC000  }
0x53: {  	[spmem:s1] =	stream.indirect.scatter.add.f32 [tilespmem:s15], [sflag:$0x1], $0x80, s17, s17, $0xb8;
	[tilespmem:$0x18100] =	vst v63  }
0x54: {  	s22 =	sand.u32 $0x380, s23;
	s21 =	sadd.s32 s12, s21;
	_ =	swait.ge [sflag:s16], $0x4000  }
0x55: {  	s22 =	sor.u32 s22, s21;
	s21 =	smov.u32 s24;
	[sflag:s16] =	ssyncset.done $0x0  }
0x56: {  	s21 =	sshrl.u32 s22, $0x3  }
0x57: {  	[sflag:s16] =	ssyncadd.s32 $0xFFFFC000;
	s22 =	sadd.s32 s5, s21  }
0x58: {  	[tilespmem:s3], [sflag:$0x1] =	stream.linear.gather [hbm4b:s22+s3], $0x80, $0x38;
	[tilespmem:$0x18100] =	vst v63  }
0x59: {  	_ =	swait.ge [sflag:s16], $0x80  }
0x5a: {  	[sflag:s16] =	ssyncset.done $0x0  }
0x5b: {  	s21 =	sadd.s32 s6, s21;
	[sflag:s16] =	ssyncadd.s32 $0xFFFFFF80  }
0x5c: {  	[tilespmem:s17], [sflag:$0x1] =	stream.linear.gather [hbm4b:s21+s3], $0x80, $0x38;
	[tilespmem:$0x18100] =	vst v63  }
0x5d: {  	_ =	swait.ge [sflag:s16], $0x80  }
0x5e: {  	[sflag:s16] =	ssyncset.done $0x0  }
0x5f: {  	[sflag:s16] =	ssyncadd.s32 $0xFFFFFF80  }
0x60: {  	[tilespmem:s15], [sflag:$0x1] =	stream.indirect.gather [hbm4b:s4+s17], $0x80, s3, s17, $0xb8;
	[tilespmem:$0x18100] =	vst v63  }
0x61: {  	_ =	swait.ge [sflag:s16], $0x4000  }
0x62: {  	[sflag:s16] =	ssyncset.done $0x0  }
0x63: {  	[sflag:s16] =	ssyncadd.s32 $0xFFFFC000  }
0x64: {  	[spmem:s1] =	stream.indirect.scatter.add.f32 [tilespmem:s15], [sflag:$0x1], $0x80, s17, s17, $0xb8;
	[tilespmem:$0x18100] =	vst v63  }
0x65: {  	_ =	swait.ge [sflag:s16], $0x4000  }
0x66: {  	s20 =	sadd.s32 $0x1, s20;
	[sflag:s16] =	ssyncset.done $0x0  }
0x67: {  	p0 =	sne.s32 s20, s14;
	[sflag:s16] =	ssyncadd.s32 $0xFFFFC000  }
.Ltmp2:
0x68: {  	[bflag:$0x0] =	sbarrier.arrive $0xFFFF;
	(pc) =	sbr.rel @p0 .LBB2_1-.Ltmp2, $4  }
0x69: {  	[hbm:s13], [sflag:s18] =	dma.local [spmem:s19], $0x2800  }
0x6a: {  	_ =	swait.ge [sflag:s16], $0x2800  }
0x6b: {  	[sflag:s16] =	ssyncset.done $0x0  }
0x6c: {  	[sflag:s16] =	ssyncadd.s32 $0xFFFFD800  }
0x6d: {  	_ =	sfence.sel $0x180000  }
0x6e: {  	[bflag:$0x0] =	sbarrier.arrive $0xFFFF  }
0x6f: {  	p0 =	sne.s32 s2, $0x0;
	_ =	strace $0x9000004A  }
0x70: {  	s0 =	sadd.s32 @!p0 $0x100000, s0;
	[bflag:$0x2] =	sbarrier.arrive $0xFFFF  }
0x71: {  	[sflag:s0] =	ssyncadd.tile.s32 @!p0 $0x1;
	_ =	shalt  }
.Lfunc_end2:
_tile_overlayer_lowered:
.L_overlay_start_2:
0x72: {  	(tag) =	ssettag $0x2  }
0x73: {  	s0 =	rddreg [dreg:$0x0];
	s2 =	stileid.u32  }
0x74: {  	s1 =	rddreg [dreg:$0x1];
	p0 =	sne.s32 s2, $0x0  }
0x75: {  	s3 =	rddreg [dreg:$0x2];
	[bflag:$0x3] =	sbarrier.arrive $0xFFFF;
	s2 =	simm.s32 @!p0 $0x1C01  }
0x76: {  	[timem:s3], [sflag:s2] =	dma.local @!p0 [hbm:s0], s1  }
0x77: {  	s0 =	simm.s32 @!p0 $0x1  }
0x78: {  	_ =	swait.ge @!p0 [sflag:s0], s1  }
0x79: {  	s1 =	ssub.s32 @!p0 $0x0, s1;
	[sflag:s0] =	ssyncset.done @!p0 $0x0  }
0x7a: {  	[sflag:s0] =	ssyncadd.s32 @!p0 s1  }
0x7b: {  	[bflag:$0x3] =	sbarrier.arrive $0xFFFF  }
0x7c: {  	_ =	shalt  }

// kernel: kernel.14.cloned.1.call-start
scs
__scs_entry_jumppad:
0x0: {  	(pc) =	sbr.rel $0x88, $3  }
0x1: {  	(tag) =	ssettag $0x0;
	lr =	simm.s32 $0x1  }
0x2: {  	[smem:$0x3F95] =	sst lr;
	_ =	strace $0xD0000000  }
0x3: {  	_ = 	snop  }
0x4: {  	_ = 	snop  }
0x5: {  	_ = 	snop  }
0x6: {  	_ = 	snop  }
0x7: {  	_ = 	snop  }
__scs_overlays_trampoline_lowered:
0x8: {  	[smem:$0x3FA4] =	sst s0  }
0x9: {  	[smem:$0x3FA5] =	sst s1  }
0xa: {  	[smem:$0x3FA6] =	sst s2  }
0xb: {  	[smem:$0x3FA7] =	sst s3  }
0xc: {  	[smem:$0x3FA8] =	sst s4  }
0xd: {  	[smem:$0x3FA9] =	sst s5  }
0xe: {  	[smem:$0x3FAA] =	sst s6  }
0xf: {  	[smem:$0x3FAB] =	sst s7  }
0x10: {  	[smem:$0x3FAC] =	sst s8  }
0x11: {  	[smem:$0x3FAD] =	sst s9;
	s0 =	simm.s32 @!p0 $0x0  }
0x12: {  	s1 =	sld [smem:$0x3F93];
	s0 =	simm.s32 @p0 $0x1  }
0x13: {  	[smem:$0x3FAE] =	sst s0;
	s0 =	simm.s32 @!p1 $0x0  }
0x14: {  	s2 =	sld [smem:$0x3F92];
	s0 =	simm.s32 @p1 $0x1  }
0x15: {  	[smem:$0x3FAF] =	sst s0;
	s0 =	simm.s32 @!p2 $0x0  }
0x16: {  	s3 =	sld [smem:$0x3FDB];
	s0 =	simm.s32 @p2 $0x1  }
0x17: {  	s4 =	simm.s32 $0x1BF5;
	[smem:$0x3FB1] =	sst s0  }
0x18: {  	s0 =	sld [smem:$0x3F94];
	_ =	swait.ge [sflag:s4], $0x0  }
0x19: {  	s7 =	sld [smem:$0x3F95]  }
0x1a: {  	s8 =	sadd.s32 $0xFFFFE003, lr  }
0x1b: {  	s9 =	sadd.s32 $0xFFFFFEF7, lr;
	s5 =	simm.s32 $0xFFFFFFFF;
	p2 =	slt.u32 s8, $0xFFFFF086  }
0x1c: {  	p1 =	slt.u32 s9, $0xF7A;
	s5 =	simm.s32 @!p2 $0x0  }
0x1d: {  	s5 =	simm.s32 @p1 $0x1;
	p0 =	seq.s32 s7, s2  }
0x1e: {  	s7 =	smul.u32 @!p0 $0xF7A, s2;
	p2 =	seq.s32 @!p0 s5, $0x0  }
0x1f: {  	s9 =	smul.u32 $0xF7A, s1;
	s8 =	simm.s32 @!p0 $0x1BF5;
	p2 =	por !p2, p0  }
0x20: {  	[sflag:s8] =	ssyncset.s32 @!p0 $0xFFFFF086;
	s6 =	sadd.s32 @!p0 s3, s7;
	s7 =	simm.s32 @!p0 $0x108  }
0x21: {  	s3 =	sadd.s32 s3, s9;
	s6 =	sadd.s32 @!p0 $0x88, s6;
	s7 =	simm.s32 @p2 $0x1082  }
0x22: {  	[simem:s7], [sflag:s8] =	dma.local @!p0 [hbm:s6], $0xF7A  }
0x23: {  	s9 =	sor.u32 $0xD0000000, s2;
	s6 =	simm.s32 $0x108;
	_ =	swait.ge @!p0 [sflag:s8], $0x0  }
0x24: {  	s3 =	sadd.s32 $0x88, s3;
	s6 =	simm.s32 @!p1 $0x1082;
	[sflag:s4] =	ssyncset.s32 $0xFFFFF086  }
0x25: {  	[simem:s6], [sflag:s4] =	dma.local [hbm:s3], $0xF7A  }
0x26: {  	[smem:$0x3F95] =	sst s1;
	(tag) =	ssettag s2;
	_ =	strace s9  }
0x27: {  	s1 =	sld [smem:$0x3FA5]  }
0x28: {  	s2 =	sld [smem:$0x3FA6]  }
0x29: {  	s4 =	sld [smem:$0x3FA8]  }
0x2a: {  	p0 =	seq.s32 s5, $0x0;
	s5 =	sld [smem:$0x3FA9]  }
0x2b: {  	s6 =	sld [smem:$0x3FAA]  }
0x2c: {  	s7 =	sld [smem:$0x3FAB]  }
0x2d: {  	s3 =	simm.s32 $0x108;
	s8 =	sld [smem:$0x3FAC]  }
0x2e: {  	s3 =	simm.s32 @!p0 $0x1082;
	s9 =	sld [smem:$0x3FAD]  }
0x2f: {  	lr =	sadd.s32 s0, s3;
	s0 =	sld [smem:$0x3FA4]  }
0x30: {  	s3 =	sld [smem:$0x3FA7]  }
0x31: {  	[smem:$0x3FB0] =	sst s10  }
0x32: {  	s10 =	sld [smem:$0x3FAE];
	_ =	sdelay $0x3  }
0x33: {  	p0 =	seq.s32 s10, $0x1;
	s10 =	sld [smem:$0x3FB0];
	_ =	sdelay $0x3  }
0x34: {  	[smem:$0x3FB0] =	sst s10  }
0x35: {  	s10 =	sld [smem:$0x3FAF];
	_ =	sdelay $0x3  }
0x36: {  	p1 =	seq.s32 s10, $0x1;
	s10 =	sld [smem:$0x3FB0];
	_ =	sdelay $0x3  }
0x37: {  	[smem:$0x3FB0] =	sst s10  }
0x38: {  	s10 =	sld [smem:$0x3FB1]  }
0x39: {  	_ = 	snop;
	(pc) =	sbr.ind lr, $3  }
0x3a: {  	_ = 	snop  }
0x3b: {  	_ = 	snop  }
0x3c: {  	p2 =	seq.s32 s10, $0x1;
	s10 =	sld [smem:$0x3FB0]  }
0x3d: {  	_ =	shalt  }
0x3e: {  	_ =	shalt  }
0x3f: {  	_ =	shalt  }
0x40: {  	_ =	shalt  }
0x41: {  	_ =	shalt  }
0x42: {  	_ =	shalt  }
0x43: {  	_ =	shalt  }
0x44: {  	_ =	shalt  }
0x45: {  	_ =	shalt  }
0x46: {  	_ =	shalt  }
0x47: {  	_ =	shalt  }
0x48: {  	_ =	shalt  }
0x49: {  	_ =	shalt  }
0x4a: {  	_ =	shalt  }
0x4b: {  	_ =	shalt  }
0x4c: {  	_ =	shalt  }
0x4d: {  	_ =	shalt  }
0x4e: {  	_ =	shalt  }
0x4f: {  	_ =	shalt  }
0x50: {  	_ =	shalt  }
0x51: {  	_ =	shalt  }
0x52: {  	_ =	shalt  }
0x53: {  	_ =	shalt  }
0x54: {  	_ =	shalt  }
0x55: {  	_ =	shalt  }
0x56: {  	_ =	shalt  }
0x57: {  	_ =	shalt  }
0x58: {  	_ =	shalt  }
0x59: {  	_ =	shalt  }
0x5a: {  	_ =	shalt  }
0x5b: {  	_ =	shalt  }
0x5c: {  	_ =	shalt  }
0x5d: {  	_ =	shalt  }
0x5e: {  	_ =	shalt  }
0x5f: {  	_ =	shalt  }
0x60: {  	_ =	shalt  }
0x61: {  	_ =	shalt  }
0x62: {  	_ =	shalt  }
0x63: {  	_ =	shalt  }
0x64: {  	_ =	shalt  }
0x65: {  	_ =	shalt  }
0x66: {  	_ =	shalt  }
0x67: {  	_ =	shalt  }
0x68: {  	_ =	shalt  }
0x69: {  	_ =	shalt  }
0x6a: {  	_ =	shalt  }
0x6b: {  	_ =	shalt  }
0x6c: {  	_ =	shalt  }
0x6d: {  	_ =	shalt  }
0x6e: {  	_ =	shalt  }
0x6f: {  	_ =	shalt  }
0x70: {  	_ =	shalt  }
0x71: {  	_ =	shalt  }
0x72: {  	_ =	shalt  }
0x73: {  	_ =	shalt  }
0x74: {  	_ =	shalt  }
0x75: {  	_ =	shalt  }
0x76: {  	_ =	shalt  }
0x77: {  	_ =	shalt  }
0x78: {  	_ =	shalt  }
0x79: {  	_ =	shalt  }
0x7a: {  	_ =	shalt  }
0x7b: {  	_ =	shalt  }
0x7c: {  	_ =	shalt  }
0x7d: {  	_ =	shalt  }
0x7e: {  	_ =	shalt  }
0x7f: {  	_ =	shalt  }
0x80: {  	_ =	shalt  }
0x81: {  	_ =	shalt  }
0x82: {  	_ =	shalt  }
0x83: {  	_ =	shalt  }
0x84: {  	_ =	shalt  }
0x85: {  	_ =	shalt  }
0x86: {  	_ =	shalt  }
0x87: {  	_ =	shalt  }
.Lfunc_end0:
.L_simem_size_0:
called_computation.2_lowered:
.L_overlay_start_0:
0x88: {  	s2 =	sld [smem:$0x3FD9]  }
0x89: {  	s3 =	sld [smem:$0x3FFE];
	_ =	sdelay $0x1  }
0x8a: {  	s1 =	srdreg.scid  }
0x8b: {  	s0 =	sand.u32 $0x1, s1  }
0x8c: {  	s16 =	sshll.u32 s0, $0xA;
	s2 =	sadd.s32 s3, s2  }
0x8d: {  	s2 =	sadd.s32 s2, s16  }
0x8e: {  	[smem:$0x3FBC] =	sst s2  }
0x8f: {  	_ = 	snop  }
0x90: {  	(tm) =	ssettm $0x1  }
0x91: {  	s17 =	sld [smem:$0x3FFB];
	_ =	sdelay $0x3  }
0x92: {  	_ =	strace s17  }
0x93: {  	s2 =	sld [smem:$0x3FFC];
	_ =	sdelay $0x3  }
0x94: {  	_ =	strace s2  }
0x95: {  	s2 =	sld [smem:$0x3FFD];
	_ =	sdelay $0x3  }
0x96: {  	_ =	strace s2  }
0x97: {  	_ =	strace $0x8FFFFFFF  }
0x98: {  	s18 =	sld [smem:$0x3FDB];
	_ =	sdelay $0x1  }
0x99: {  	s19 =	simm.s32 $_scs_section_size  }
0x9a: {  	s4 =	simm.s32 $_size__tile_overlayer_lowered;
	s5 =	simm.s32 $_tile_overlayer_lowered  }
0x9b: {  	s22 =	simm.s32 $0x1BFF;
	s21 =	sshll.u32 s5, $0x1;
	s2 =	sadd.s32 s19, s18  }
0x9c: {  	s6 =	simm.s32 $0x0;
	s20 =	sshll.u32 s4, $0x1;
	s4 =	sadd.s32 s21, s2  }
0x9d: {  	[timem:s6], [sflag:s22] =	dma.local [hbm:s4], s20  }
0x9e: {  	_ =	swait.ge [sflag:s22], s20  }
0x9f: {  	s3 =	ssub.s32 $0x0, s20;
	[sflag:s22] =	ssyncset.done $0x0  }
0xa0: {  	[sflag:s22] =	ssyncadd.s32 s3;
	_ =	sdelay $0x1  }
0xa1: {  	s23 =	simm.s32 $0x1B8B  }
0xa2: {  	_ =	swait.ge [sflag:s23], $0x1  }
0xa3: {  	[sflag:s23] =	ssyncset.done $0x0  }
0xa4: {  	s25 =	simm.s32 $0x1B8E;
	s24 =	sld [smem:$0x3FFE];
	[sflag:s23] =	ssyncadd.s32 $0xFFFFFFFF  }
0xa5: {  	s26 =	simm.s32 $execute0_lowered;
	[smem:$0x3FD2] =	sst s25  }
0xa6: {  	s4 =	sshll.u32 s26, $0x1;
	_ =	strace $0x8000004C;
	[dreg:$0x1] =	wrdreg $0xFFFFFFFF  }
0xa7: {  	s28 =	simm.s32 $_size_execute0_lowered;
	s2 =	sadd.s32 s2, s4;
	[dreg:$0x0] =	wrdreg $0x0  }
0xa8: {  	s4 =	sshll.u32 s28, $0x1;
	[dreg:$0x2] =	wrdreg s2  }
0xa9: {  	[dreg:$0x3] =	wrdreg s4  }
0xaa: {  	[dreg:$0x4] =	wrdreg $0xC0  }
0xab: {  	_ =	task [dreg:s6], $0x5FFFF  }
0xac: {  	[dreg:$0x1] =	wrdreg $0xFFFFFFFF  }
0xad: {  	[dreg:$0x0] =	wrdreg $0x60  }
0xae: {  	[dreg:$0x2] =	wrdreg s24  }
0xaf: {  	[dreg:$0x3] =	wrdreg $0x41000  }
0xb0: {  	[dreg:$0x4] =	wrdreg $0x9  }
0xb1: {  	_ =	task.clear_ibuf [dreg:s6], $0x5FFFF;
	_ =	strace $0x9000004C  }
0xb2: {  	s29 =	simm.s32 $0x9;
	_ =	strace $0x8000004E  }
0xb3: {  	_ =	swait.ge [sflag:s29], $0x1  }
0xb4: {  	[sflag:s29] =	ssyncadd.s32 $0xFFFFFFFF  }
0xb5: {  	_ =	strace $0x9000004E  }
0xb6: {  	_ =	sfence  }
0xb7: {  	s30 =	sld [smem:$0x0];
	_ =	sdelay $0x2  }
0xb8: {  	s31 =	sshll.u32 s1, $0xD;
	s1 =	sshrl.u32 s1, $0x2  }
0xb9: {  	s3 =	sand.u32 $0x4000, s31;
	s1 =	sadd.s32 s1, s30  }
0xba: {  	s0 =	sor.u32 s3, s0;
	s1 =	sshll.u32 s1, $0x11  }
0xbb: {  	s0 =	sor.u32 s1, s0  }
0xbc: {  	s0 =	sadd.s32 $0x8F2B, s0  }
0xbd: {  	[sflag:s0] =	ssyncadd.remote.s32 $0x1  }
0xbe: {  	_ =	sfence.sel $0xFFFF  }
0xbf: {  	[dreg:$0x0] =	wrdreg $0xFFFFFFFF;
	(pc) =	sbr.abs _section_cstart, $3  }
0xc0: {  	[dreg:$0x1] =	wrdreg $0xFFFFFFFF  }
0xc1: {  	_ =	task.clear_ibuf [dreg:s6], $0x2FFFF;
	_ =	strace $0x9FFFFFFF  }
0xc2: {  	(tm) =	ssettm $0x7FFFFFFF  }
0xc3: {  	_ =	shalt  }
tec
execute0_lowered:
.L_overlay_start_1:
0x0: {  	(tag) =	ssettag $0x1  }
0x1: {  	s7 =	rddreg [dreg:$0x0]  }
0x2: {  	s1 =	rddreg [dreg:$0x1];
	s2 =	srdreg.scid  }
0x3: {  	s0 =	rddreg [dreg:$0x2];
	s3 =	simm.s32 $0x0;
	s15 =	simm.s32 $0x100  }
0x4: {  	s16 =	simm.s32 $0x1;
	s17 =	simm.s32 $0x80;
	s8 =	sand.u32 $0x1, s2  }
0x5: {  	s20 =	simm.s32 $0x0;
	s2 =	stileid.u32;
	s6 =	smul.u32 $0x140000, s8  }
0x6: {  	[smem:$0x7FF] =	sst s3;
	s4 =	sadd.s32 $0xCE00, s7;
	s9 =	smul.u32 $0x14000, s2  }
0x7: {  	s5 =	sadd.s32 $0x5CE00, s7;
	_ =	strace $0x8000004D;
	s10 =	smul.u32 $0x50000, s2  }
0x8: {  	s11 =	ssub.s32 $0x2, s8;
	s8 =	sshll.u32 s8, $0x4;
	s18 =	sshll.u32 s2, $0x6  }
0x9: {  	s30 =	sshrl.u32 s11, $0x1;
	s12 =	sor.u32 s2, s8;
	s18 =	sor.u32 $0x1C01, s18  }
0xa: {  	s9 =	sadd.s32 s9, s6;
	s6 =	sadd.s32 $0x2E00, s7;
	s31 =	sshrl.u32 s10, $0x2  }
0xb: {  	s14 =	ssub.s32 s11, s30;
	s12 =	smul.u32 $0x2800, s12;
	s9 =	sshrl.u32 s9, $0x3  }
0xc: {  	s14 =	smax.u32 s14, $0x1;
	s13 =	sadd.s32 s9, s7;
	s7 =	sadd.s32 s31, s1  }
0xd: {  	s8 =	sadd.s32 $0x4000, s7;
	s9 =	sadd.s32 $0x8000, s7;
	s10 =	sadd.s32 $0xC000, s7  }
0xe: {  	v0 =	vimm.f32 $0.0e+00;
	s11 =	sadd.s32 $0x10000, s7;
	s13 =	sadd.s32 $0x66E00, s13;
	s19 =	sshrl.u32 s7, $0x3  }
.LBB2_1:
0xf: {  	s21 =	simm.s32 $0x0;
	s22 =	simm.s32 $0x200  }
.LBB2_2:
0x10: {  	p0 =	sne.s32 s22, $0xFE00;
	[tilespmem:s21+$0x170] =	vst v0  }
0x11: {  	[tilespmem:s21+$0x100] =	vst v0  }
0x12: {  	[tilespmem:s21+$0x110] =	vst v0  }
.Ltmp0:
0x13: {  	[tilespmem:s21+$0x120] =	vst v0;
	(pc) =	sbr.rel @p0 .LBB2_2-.Ltmp0, $4  }
0x14: {  	[tilespmem:s21+$0x130] =	vst v0  }
0x15: {  	[tilespmem:s21+$0x140] =	vst v0  }
0x16: {  	[tilespmem:s21+$0x150] =	vst v0  }
0x17: {  	[tilespmem:s21+$0x160] =	vst v0;
	s21 =	sshra.s32 s22, $0x2;
	s22 =	sadd.s32 $0x200, s22  }
0x18: {  	[tilespmem:s21+$0x170] =	vst v0  }
0x19: {  	[tilespmem:s21+$0x100] =	vst v0  }
0x1a: {  	[tilespmem:s21+$0x110] =	vst v0  }
0x1b: {  	[tilespmem:s21+$0x120] =	vst v0  }
0x1c: {  	[tilespmem:s21+$0x130] =	vst v0  }
0x1d: {  	[tilespmem:s21+$0x140] =	vst v0  }
0x1e: {  	[tilespmem:s21+$0x150] =	vst v0  }
0x1f: {  	[tilespmem:s21+$0x160] =	vst v0  }
0x20: {  	[spmem:s7] =	stream.linear.scatter [tilespmem:s15], [sflag:$0x1], $0x4000, $0x38;
	[tilespmem:$0x18100] =	vst v63  }
0x21: {  	_ =	swait.ge [sflag:s16], $0x4000  }
0x22: {  	[sflag:s16] =	ssyncset.done $0x0  }
0x23: {  	[sflag:s16] =	ssyncadd.s32 $0xFFFFC000  }
0x24: {  	[spmem:s8] =	stream.linear.scatter [tilespmem:s15], [sflag:$0x1], $0x4000, $0x38;
	[tilespmem:$0x18100] =	vst v63  }
0x25: {  	_ =	swait.ge [sflag:s16], $0x4000  }
0x26: {  	[sflag:s16] =	ssyncset.done $0x0  }
0x27: {  	[sflag:s16] =	ssyncadd.s32 $0xFFFFC000  }
0x28: {  	[spmem:s9] =	stream.linear.scatter [tilespmem:s15], [sflag:$0x1], $0x4000, $0x38;
	[tilespmem:$0x18100] =	vst v63  }
0x29: {  	_ =	swait.ge [sflag:s16], $0x4000  }
0x2a: {  	[sflag:s16] =	ssyncset.done $0x0  }
0x2b: {  	[sflag:s16] =	ssyncadd.s32 $0xFFFFC000  }
0x2c: {  	[spmem:s10] =	stream.linear.scatter [tilespmem:s15], [sflag:$0x1], $0x4000, $0x38;
	[tilespmem:$0x18100] =	vst v63  }
0x2d: {  	_ =	swait.ge [sflag:s16], $0x4000  }
0x2e: {  	s28 =	simm.s32 $0x0;
	[sflag:s16] =	ssyncset.done $0x0  }
0x2f: {  	s22 =	sand.u32 $0x3C00, s28;
	[sflag:s16] =	ssyncadd.s32 $0xFFFFC000  }
0x30: {  	[spmem:s11] =	stream.linear.scatter [tilespmem:s15], [sflag:$0x1], $0x4000, $0x38;
	[tilespmem:$0x18100] =	vst v63  }
0x31: {  	s21 =	sand.u32 $0x380, s28;
	s22 =	sadd.s32 s12, s22;
	_ =	swait.ge [sflag:s16], $0x4000  }
0x32: {  	s21 =	sor.u32 s21, s22;
	[sflag:s16] =	ssyncset.done $0x0  }
0x33: {  	s21 =	sshrl.u32 s21, $0x3;
	[sflag:s16] =	ssyncadd.s32 $0xFFFFC000  }
0x34: {  	s29 =	sadd.s32 s5, s21;
	[bflag:$0x0] =	sbarrier.arrive $0xFFFF  }
0x35: {  	[tilespmem:s3], [sflag:$0x1] =	stream.linear.gather [hbm4b:s29+s3], $0x80, $0x38;
	[tilespmem:$0x18100] =	vst v63  }
0x36: {  	_ =	swait.ge [sflag:s16], $0x80  }
0x37: {  	[sflag:s16] =	ssyncset.done $0x0  }
0x38: {  	s21 =	sadd.s32 s6, s21;
	[sflag:s16] =	ssyncadd.s32 $0xFFFFFF80  }
0x39: {  	[tilespmem:s17], [sflag:$0x1] =	stream.linear.gather [hbm4b:s21+s3], $0x80, $0x38;
	[tilespmem:$0x18100] =	vst v63  }
0x3a: {  	_ =	swait.ge [sflag:s16], $0x80  }
0x3b: {  	[sflag:s16] =	ssyncset.done $0x0  }
0x3c: {  	[sflag:s16] =	ssyncadd.s32 $0xFFFFFF80  }
0x3d: {  	[tilespmem:s15], [sflag:$0x1] =	stream.indirect.gather [hbm4b:s4+s17], $0x80, s3, s17, $0xb8;
	[tilespmem:$0x18100] =	vst v63  }
0x3e: {  	_ =	swait.ge [sflag:s16], $0x4000  }
0x3f: {  	s30 =	simm.s32 $0x80;
	[sflag:s16] =	ssyncset.done $0x0  }
0x40: {  	s31 =	sand.u32 $0x3C00, s30;
	[sflag:s16] =	ssyncadd.s32 $0xFFFFC000  }
0x41: {  	[spmem:s1] =	stream.indirect.scatter.add.f32 [tilespmem:s15], [sflag:$0x1], $0x80, s17, s17, $0xb8;
	[tilespmem:$0x18100] =	vst v63  }
0x42: {  	s23 =	sand.u32 $0x380, s30;
	s22 =	sadd.s32 s12, s31;
	_ =	swait.ge [sflag:s16], $0x4000  }
0x43: {  	s22 =	sor.u32 s23, s22;
	s21 =	simm.s32 $0x100;
	[sflag:s16] =	ssyncset.done $0x0  }
.LBB2_4:
0x44: {  	s22 =	sshrl.u32 s22, $0x3  }
0x45: {  	[sflag:s16] =	ssyncadd.s32 $0xFFFFC000;
	s23 =	smov.u32 s21;
	s24 =	sadd.s32 $0x80, s21  }
0x46: {  	p0 =	sne.s32 s21, $0x2700;
	s21 =	sadd.s32 s5, s22  }
0x47: {  	[tilespmem:s3], [sflag:$0x1] =	stream.linear.gather [hbm4b:s21+s3], $0x80, $0x38;
	[tilespmem:$0x18100] =	vst v63  }
0x48: {  	_ =	swait.ge [sflag:s16], $0x80  }
0x49: {  	[sflag:s16] =	ssyncset.done $0x0  }
0x4a: {  	s21 =	sadd.s32 s6, s22;
	[sflag:s16] =	ssyncadd.s32 $0xFFFFFF80  }
0x4b: {  	[tilespmem:s17], [sflag:$0x1] =	stream.linear.gather [hbm4b:s21+s3], $0x80, $0x38;
	[tilespmem:$0x18100] =	vst v63  }
0x4c: {  	_ =	swait.ge [sflag:s16], $0x80  }
0x4d: {  	[sflag:s16] =	ssyncset.done $0x0  }
0x4e: {  	[sflag:s16] =	ssyncadd.s32 $0xFFFFFF80  }
0x4f: {  	[tilespmem:s15], [sflag:$0x1] =	stream.indirect.gather [hbm4b:s4+s17], $0x80, s3, s17, $0xb8;
	[tilespmem:$0x18100] =	vst v63  }
0x50: {  	_ =	swait.ge [sflag:s16], $0x4000  }
.Ltmp1:
0x51: {  	[sflag:s16] =	ssyncset.done $0x0;
	(pc) =	sbr.rel @p0 .LBB2_4-.Ltmp1, $4  }
0x52: {  	s21 =	sand.u32 $0x3C00, s23;
	[sflag:s16] =	ssyncadd.s32 $0xFFFFC000  }
0x53: {  	[spmem:s1] =	stream.indirect.scatter.add.f32 [tilespmem:s15], [sflag:$0x1], $0x80, s17, s17, $0xb8;
	[tilespmem:$0x18100] =	vst v63  }
0x54: {  	s22 =	sand.u32 $0x380, s23;
	s21 =	sadd.s32 s12, s21;
	_ =	swait.ge [sflag:s16], $0x4000  }
0x55: {  	s22 =	sor.u32 s22, s21;
	s21 =	smov.u32 s24;
	[sflag:s16] =	ssyncset.done $0x0  }
0x56: {  	s21 =	sshrl.u32 s22, $0x3  }
0x57: {  	[sflag:s16] =	ssyncadd.s32 $0xFFFFC000;
	s22 =	sadd.s32 s5, s21  }
0x58: {  	[tilespmem:s3], [sflag:$0x1] =	stream.linear.gather [hbm4b:s22+s3], $0x80, $0x38;
	[tilespmem:$0x18100] =	vst v63  }
0x59: {  	_ =	swait.ge [sflag:s16], $0x80  }
0x5a: {  	[sflag:s16] =	ssyncset.done $0x0  }
0x5b: {  	s21 =	sadd.s32 s6, s21;
	[sflag:s16] =	ssyncadd.s32 $0xFFFFFF80  }
0x5c: {  	[tilespmem:s17], [sflag:$0x1] =	stream.linear.gather [hbm4b:s21+s3], $0x80, $0x38;
	[tilespmem:$0x18100] =	vst v63  }
0x5d: {  	_ =	swait.ge [sflag:s16], $0x80  }
0x5e: {  	[sflag:s16] =	ssyncset.done $0x0  }
0x5f: {  	[sflag:s16] =	ssyncadd.s32 $0xFFFFFF80  }
0x60: {  	[tilespmem:s15], [sflag:$0x1] =	stream.indirect.gather [hbm4b:s4+s17], $0x80, s3, s17, $0xb8;
	[tilespmem:$0x18100] =	vst v63  }
0x61: {  	_ =	swait.ge [sflag:s16], $0x4000  }
0x62: {  	[sflag:s16] =	ssyncset.done $0x0  }
0x63: {  	[sflag:s16] =	ssyncadd.s32 $0xFFFFC000  }
0x64: {  	[spmem:s1] =	stream.indirect.scatter.add.f32 [tilespmem:s15], [sflag:$0x1], $0x80, s17, s17, $0xb8;
	[tilespmem:$0x18100] =	vst v63  }
0x65: {  	_ =	swait.ge [sflag:s16], $0x4000  }
0x66: {  	s20 =	sadd.s32 $0x1, s20;
	[sflag:s16] =	ssyncset.done $0x0  }
0x67: {  	p0 =	sne.s32 s20, s14;
	[sflag:s16] =	ssyncadd.s32 $0xFFFFC000  }
.Ltmp2:
0x68: {  	[bflag:$0x0] =	sbarrier.arrive $0xFFFF;
	(pc) =	sbr.rel @p0 .LBB2_1-.Ltmp2, $4  }
0x69: {  	[hbm:s13], [sflag:s18] =	dma.local [spmem:s19], $0x2800  }
0x6a: {  	_ =	swait.ge [sflag:s16], $0x2800  }
0x6b: {  	[sflag:s16] =	ssyncset.done $0x0  }
0x6c: {  	[sflag:s16] =	ssyncadd.s32 $0xFFFFD800  }
0x6d: {  	_ =	sfence.sel $0x180000  }
0x6e: {  	[bflag:$0x0] =	sbarrier.arrive $0xFFFF  }
0x6f: {  	p0 =	sne.s32 s2, $0x0;
	_ =	strace $0x9000004D  }
0x70: {  	s0 =	sadd.s32 @!p0 $0x100000, s0;
	[bflag:$0x2] =	sbarrier.arrive $0xFFFF  }
0x71: {  	[sflag:s0] =	ssyncadd.tile.s32 @!p0 $0x1;
	_ =	shalt  }
.Lfunc_end2:
_tile_overlayer_lowered:
.L_overlay_start_2:
0x72: {  	(tag) =	ssettag $0x2  }
0x73: {  	s0 =	rddreg [dreg:$0x0];
	s2 =	stileid.u32  }
0x74: {  	s1 =	rddreg [dreg:$0x1];
	p0 =	sne.s32 s2, $0x0  }
0x75: {  	s3 =	rddreg [dreg:$0x2];
	[bflag:$0x3] =	sbarrier.arrive $0xFFFF;
	s2 =	simm.s32 @!p0 $0x1C01  }
0x76: {  	[timem:s3], [sflag:s2] =	dma.local @!p0 [hbm:s0], s1  }
0x77: {  	s0 =	simm.s32 @!p0 $0x1  }
0x78: {  	_ =	swait.ge @!p0 [sflag:s0], s1  }
0x79: {  	s1 =	ssub.s32 @!p0 $0x0, s1;
	[sflag:s0] =	ssyncset.done @!p0 $0x0  }
0x7a: {  	[sflag:s0] =	ssyncadd.s32 @!p0 s1  }
0x7b: {  	[bflag:$0x3] =	sbarrier.arrive $0xFFFF  }
0x7c: {  	_ =	shalt  }

// kernel: kernel.8.cloned.1.call-start
scs
__scs_entry_jumppad:
0x0: {  	(pc) =	sbr.rel $0x88, $3  }
0x1: {  	(tag) =	ssettag $0x0;
	lr =	simm.s32 $0x1  }
0x2: {  	[smem:$0x3F95] =	sst lr;
	_ =	strace $0xD0000000  }
0x3: {  	_ = 	snop  }
0x4: {  	_ = 	snop  }
0x5: {  	_ = 	snop  }
0x6: {  	_ = 	snop  }
0x7: {  	_ = 	snop  }
__scs_overlays_trampoline_lowered:
0x8: {  	[smem:$0x3FA4] =	sst s0  }
0x9: {  	[smem:$0x3FA5] =	sst s1  }
0xa: {  	[smem:$0x3FA6] =	sst s2  }
0xb: {  	[smem:$0x3FA7] =	sst s3  }
0xc: {  	[smem:$0x3FA8] =	sst s4  }
0xd: {  	[smem:$0x3FA9] =	sst s5  }
0xe: {  	[smem:$0x3FAA] =	sst s6  }
0xf: {  	[smem:$0x3FAB] =	sst s7  }
0x10: {  	[smem:$0x3FAC] =	sst s8  }
0x11: {  	[smem:$0x3FAD] =	sst s9;
	s0 =	simm.s32 @!p0 $0x0  }
0x12: {  	s1 =	sld [smem:$0x3F93];
	s0 =	simm.s32 @p0 $0x1  }
0x13: {  	[smem:$0x3FAE] =	sst s0;
	s0 =	simm.s32 @!p1 $0x0  }
0x14: {  	s2 =	sld [smem:$0x3F92];
	s0 =	simm.s32 @p1 $0x1  }
0x15: {  	[smem:$0x3FAF] =	sst s0;
	s0 =	simm.s32 @!p2 $0x0  }
0x16: {  	s3 =	sld [smem:$0x3FDB];
	s0 =	simm.s32 @p2 $0x1  }
0x17: {  	s4 =	simm.s32 $0x1BF5;
	[smem:$0x3FB1] =	sst s0  }
0x18: {  	s0 =	sld [smem:$0x3F94];
	_ =	swait.ge [sflag:s4], $0x0  }
0x19: {  	s7 =	sld [smem:$0x3F95]  }
0x1a: {  	s8 =	sadd.s32 $0xFFFFE003, lr  }
0x1b: {  	s9 =	sadd.s32 $0xFFFFFEF7, lr;
	s5 =	simm.s32 $0xFFFFFFFF;
	p2 =	slt.u32 s8, $0xFFFFF086  }
0x1c: {  	p1 =	slt.u32 s9, $0xF7A;
	s5 =	simm.s32 @!p2 $0x0  }
0x1d: {  	s5 =	simm.s32 @p1 $0x1;
	p0 =	seq.s32 s7, s2  }
0x1e: {  	s7 =	smul.u32 @!p0 $0xF7A, s2;
	p2 =	seq.s32 @!p0 s5, $0x0  }
0x1f: {  	s9 =	smul.u32 $0xF7A, s1;
	s8 =	simm.s32 @!p0 $0x1BF5;
	p2 =	por !p2, p0  }
0x20: {  	[sflag:s8] =	ssyncset.s32 @!p0 $0xFFFFF086;
	s6 =	sadd.s32 @!p0 s3, s7;
	s7 =	simm.s32 @!p0 $0x108  }
0x21: {  	s3 =	sadd.s32 s3, s9;
	s6 =	sadd.s32 @!p0 $0x88, s6;
	s7 =	simm.s32 @p2 $0x1082  }
0x22: {  	[simem:s7], [sflag:s8] =	dma.local @!p0 [hbm:s6], $0xF7A  }
0x23: {  	s9 =	sor.u32 $0xD0000000, s2;
	s6 =	simm.s32 $0x108;
	_ =	swait.ge @!p0 [sflag:s8], $0x0  }
0x24: {  	s3 =	sadd.s32 $0x88, s3;
	s6 =	simm.s32 @!p1 $0x1082;
	[sflag:s4] =	ssyncset.s32 $0xFFFFF086  }
0x25: {  	[simem:s6], [sflag:s4] =	dma.local [hbm:s3], $0xF7A  }
0x26: {  	[smem:$0x3F95] =	sst s1;
	(tag) =	ssettag s2;
	_ =	strace s9  }
0x27: {  	s1 =	sld [smem:$0x3FA5]  }
0x28: {  	s2 =	sld [smem:$0x3FA6]  }
0x29: {  	s4 =	sld [smem:$0x3FA8]  }
0x2a: {  	p0 =	seq.s32 s5, $0x0;
	s5 =	sld [smem:$0x3FA9]  }
0x2b: {  	s6 =	sld [smem:$0x3FAA]  }
0x2c: {  	s7 =	sld [smem:$0x3FAB]  }
0x2d: {  	s3 =	simm.s32 $0x108;
	s8 =	sld [smem:$0x3FAC]  }
0x2e: {  	s3 =	simm.s32 @!p0 $0x1082;
	s9 =	sld [smem:$0x3FAD]  }
0x2f: {  	lr =	sadd.s32 s0, s3;
	s0 =	sld [smem:$0x3FA4]  }
0x30: {  	s3 =	sld [smem:$0x3FA7]  }
0x31: {  	[smem:$0x3FB0] =	sst s10  }
0x32: {  	s10 =	sld [smem:$0x3FAE];
	_ =	sdelay $0x3  }
0x33: {  	p0 =	seq.s32 s10, $0x1;
	s10 =	sld [smem:$0x3FB0];
	_ =	sdelay $0x3  }
0x34: {  	[smem:$0x3FB0] =	sst s10  }
0x35: {  	s10 =	sld [smem:$0x3FAF];
	_ =	sdelay $0x3  }
0x36: {  	p1 =	seq.s32 s10, $0x1;
	s10 =	sld [smem:$0x3FB0];
	_ =	sdelay $0x3  }
0x37: {  	[smem:$0x3FB0] =	sst s10  }
0x38: {  	s10 =	sld [smem:$0x3FB1]  }
0x39: {  	_ = 	snop;
	(pc) =	sbr.ind lr, $3  }
0x3a: {  	_ = 	snop  }
0x3b: {  	_ = 	snop  }
0x3c: {  	p2 =	seq.s32 s10, $0x1;
	s10 =	sld [smem:$0x3FB0]  }
0x3d: {  	_ =	shalt  }
0x3e: {  	_ =	shalt  }
0x3f: {  	_ =	shalt  }
0x40: {  	_ =	shalt  }
0x41: {  	_ =	shalt  }
0x42: {  	_ =	shalt  }
0x43: {  	_ =	shalt  }
0x44: {  	_ =	shalt  }
0x45: {  	_ =	shalt  }
0x46: {  	_ =	shalt  }
0x47: {  	_ =	shalt  }
0x48: {  	_ =	shalt  }
0x49: {  	_ =	shalt  }
0x4a: {  	_ =	shalt  }
0x4b: {  	_ =	shalt  }
0x4c: {  	_ =	shalt  }
0x4d: {  	_ =	shalt  }
0x4e: {  	_ =	shalt  }
0x4f: {  	_ =	shalt  }
0x50: {  	_ =	shalt  }
0x51: {  	_ =	shalt  }
0x52: {  	_ =	shalt  }
0x53: {  	_ =	shalt  }
0x54: {  	_ =	shalt  }
0x55: {  	_ =	shalt  }
0x56: {  	_ =	shalt  }
0x57: {  	_ =	shalt  }
0x58: {  	_ =	shalt  }
0x59: {  	_ =	shalt  }
0x5a: {  	_ =	shalt  }
0x5b: {  	_ =	shalt  }
0x5c: {  	_ =	shalt  }
0x5d: {  	_ =	shalt  }
0x5e: {  	_ =	shalt  }
0x5f: {  	_ =	shalt  }
0x60: {  	_ =	shalt  }
0x61: {  	_ =	shalt  }
0x62: {  	_ =	shalt  }
0x63: {  	_ =	shalt  }
0x64: {  	_ =	shalt  }
0x65: {  	_ =	shalt  }
0x66: {  	_ =	shalt  }
0x67: {  	_ =	shalt  }
0x68: {  	_ =	shalt  }
0x69: {  	_ =	shalt  }
0x6a: {  	_ =	shalt  }
0x6b: {  	_ =	shalt  }
0x6c: {  	_ =	shalt  }
0x6d: {  	_ =	shalt  }
0x6e: {  	_ =	shalt  }
0x6f: {  	_ =	shalt  }
0x70: {  	_ =	shalt  }
0x71: {  	_ =	shalt  }
0x72: {  	_ =	shalt  }
0x73: {  	_ =	shalt  }
0x74: {  	_ =	shalt  }
0x75: {  	_ =	shalt  }
0x76: {  	_ =	shalt  }
0x77: {  	_ =	shalt  }
0x78: {  	_ =	shalt  }
0x79: {  	_ =	shalt  }
0x7a: {  	_ =	shalt  }
0x7b: {  	_ =	shalt  }
0x7c: {  	_ =	shalt  }
0x7d: {  	_ =	shalt  }
0x7e: {  	_ =	shalt  }
0x7f: {  	_ =	shalt  }
0x80: {  	_ =	shalt  }
0x81: {  	_ =	shalt  }
0x82: {  	_ =	shalt  }
0x83: {  	_ =	shalt  }
0x84: {  	_ =	shalt  }
0x85: {  	_ =	shalt  }
0x86: {  	_ =	shalt  }
0x87: {  	_ =	shalt  }
.Lfunc_end0:
.L_simem_size_0:
called_computation_lowered:
.L_overlay_start_0:
0x88: {  	s2 =	sld [smem:$0x3FD9]  }
0x89: {  	s3 =	sld [smem:$0x3FFE];
	_ =	sdelay $0x1  }
0x8a: {  	s1 =	srdreg.scid  }
0x8b: {  	s0 =	sand.u32 $0x1, s1  }
0x8c: {  	s16 =	sshll.u32 s0, $0xA;
	s2 =	sadd.s32 s3, s2  }
0x8d: {  	s2 =	sadd.s32 s2, s16  }
0x8e: {  	[smem:$0x3FBC] =	sst s2  }
0x8f: {  	_ = 	snop  }
0x90: {  	(tm) =	ssettm $0x1  }
0x91: {  	s17 =	sld [smem:$0x3FFB];
	_ =	sdelay $0x3  }
0x92: {  	_ =	strace s17  }
0x93: {  	s2 =	sld [smem:$0x3FFC];
	_ =	sdelay $0x3  }
0x94: {  	_ =	strace s2  }
0x95: {  	s2 =	sld [smem:$0x3FFD];
	_ =	sdelay $0x3  }
0x96: {  	_ =	strace s2  }
0x97: {  	_ =	strace $0x8FFFFFFF  }
0x98: {  	s18 =	sld [smem:$0x3FDB];
	_ =	sdelay $0x1  }
0x99: {  	s19 =	simm.s32 $_scs_section_size  }
0x9a: {  	s4 =	simm.s32 $_size__tile_overlayer_lowered;
	s5 =	simm.s32 $_tile_overlayer_lowered  }
0x9b: {  	s22 =	simm.s32 $0x1BFF;
	s21 =	sshll.u32 s5, $0x1;
	s2 =	sadd.s32 s19, s18  }
0x9c: {  	s6 =	simm.s32 $0x0;
	s20 =	sshll.u32 s4, $0x1;
	s4 =	sadd.s32 s21, s2  }
0x9d: {  	[timem:s6], [sflag:s22] =	dma.local [hbm:s4], s20  }
0x9e: {  	_ =	swait.ge [sflag:s22], s20  }
0x9f: {  	s3 =	ssub.s32 $0x0, s20;
	[sflag:s22] =	ssyncset.done $0x0  }
0xa0: {  	[sflag:s22] =	ssyncadd.s32 s3;
	_ =	sdelay $0x1  }
0xa1: {  	s23 =	simm.s32 $0x1B8B  }
0xa2: {  	_ =	swait.ge [sflag:s23], $0x1  }
0xa3: {  	[sflag:s23] =	ssyncset.done $0x0  }
0xa4: {  	s25 =	simm.s32 $0x1B8E;
	s24 =	sld [smem:$0x3FFE];
	[sflag:s23] =	ssyncadd.s32 $0xFFFFFFFF  }
0xa5: {  	s26 =	simm.s32 $execute0_lowered;
	[smem:$0x3FD2] =	sst s25  }
0xa6: {  	s4 =	sshll.u32 s26, $0x1;
	_ =	strace $0x80000046;
	[dreg:$0x1] =	wrdreg $0xFFFFFFFF  }
0xa7: {  	s28 =	simm.s32 $_size_execute0_lowered;
	s2 =	sadd.s32 s2, s4;
	[dreg:$0x0] =	wrdreg $0x0  }
0xa8: {  	s4 =	sshll.u32 s28, $0x1;
	[dreg:$0x2] =	wrdreg s2  }
0xa9: {  	[dreg:$0x3] =	wrdreg s4  }
0xaa: {  	[dreg:$0x4] =	wrdreg $0xC0  }
0xab: {  	_ =	task [dreg:s6], $0x5FFFF  }
0xac: {  	[dreg:$0x1] =	wrdreg $0xFFFFFFFF  }
0xad: {  	[dreg:$0x0] =	wrdreg $0x60  }
0xae: {  	[dreg:$0x2] =	wrdreg s24  }
0xaf: {  	[dreg:$0x3] =	wrdreg $0x40800  }
0xb0: {  	[dreg:$0x4] =	wrdreg $0x9  }
0xb1: {  	_ =	task.clear_ibuf [dreg:s6], $0x5FFFF;
	_ =	strace $0x90000046  }
0xb2: {  	s29 =	simm.s32 $0x9;
	_ =	strace $0x80000048  }
0xb3: {  	_ =	swait.ge [sflag:s29], $0x1  }
0xb4: {  	[sflag:s29] =	ssyncadd.s32 $0xFFFFFFFF  }
0xb5: {  	_ =	strace $0x90000048  }
0xb6: {  	_ =	sfence  }
0xb7: {  	s30 =	sld [smem:$0x0];
	_ =	sdelay $0x2  }
0xb8: {  	s31 =	sshll.u32 s1, $0xD;
	s1 =	sshrl.u32 s1, $0x2  }
0xb9: {  	s3 =	sand.u32 $0x4000, s31;
	s1 =	sadd.s32 s1, s30  }
0xba: {  	s0 =	sor.u32 s3, s0;
	s1 =	sshll.u32 s1, $0x11  }
0xbb: {  	s0 =	sor.u32 s1, s0  }
0xbc: {  	s0 =	sadd.s32 $0x8F2B, s0  }
0xbd: {  	[sflag:s0] =	ssyncadd.remote.s32 $0x1  }
0xbe: {  	_ =	sfence.sel $0xFFFF  }
0xbf: {  	[dreg:$0x0] =	wrdreg $0xFFFFFFFF;
	(pc) =	sbr.abs _section_cstart, $3  }
0xc0: {  	[dreg:$0x1] =	wrdreg $0xFFFFFFFF  }
0xc1: {  	_ =	task.clear_ibuf [dreg:s6], $0x2FFFF;
	_ =	strace $0x9FFFFFFF  }
0xc2: {  	(tm) =	ssettm $0x7FFFFFFF  }
0xc3: {  	_ =	shalt  }
tec
execute0_lowered:
.L_overlay_start_1:
0x0: {  	(tag) =	ssettag $0x1  }
0x1: {  	s5 =	rddreg [dreg:$0x0]  }
0x2: {  	s0 =	srdreg.scid;
	s2 =	rddreg [dreg:$0x1]  }
0x3: {  	s1 =	rddreg [dreg:$0x2];
	s3 =	simm.s32 $0x0;
	s6 =	sand.u32 $0x1, s0  }
0x4: {  	s13 =	simm.s32 $0x80;
	s0 =	stileid.u32;
	s4 =	smul.u32 $0x140000, s6  }
0x5: {  	s14 =	simm.s32 $0x1;
	[smem:$0x7FF] =	sst s3;
	s7 =	smul.u32 $0x14000, s0  }
0x6: {  	s17 =	simm.s32 $0x0;
	s8 =	smul.u32 $0x50000, s0;
	_ =	strace $0x80000047  }
0x7: {  	s29 =	ssub.s32 $0x2, s6;
	s6 =	sshll.u32 s6, $0x4;
	s15 =	sshll.u32 s0, $0x6  }
0x8: {  	s31 =	sshrl.u32 s29, $0x1;
	s10 =	sor.u32 s0, s6;
	s15 =	sor.u32 $0x1C01, s15  }
0x9: {  	s7 =	sadd.s32 s7, s4;
	s4 =	sadd.s32 $0x2E00, s5;
	s30 =	sshrl.u32 s8, $0x2  }
0xa: {  	s12 =	ssub.s32 s29, s31;
	s10 =	smul.u32 $0x2800, s10;
	s7 =	sshrl.u32 s7, $0x3  }
0xb: {  	s12 =	smax.u32 s12, $0x1;
	s11 =	sadd.s32 s7, s5;
	s5 =	sadd.s32 s30, s2  }
0xc: {  	s6 =	sadd.s32 $0x4000, s5;
	s7 =	sadd.s32 $0x8000, s5;
	s8 =	sadd.s32 $0xC000, s5  }
0xd: {  	v0 =	vimm.f32 $0.0e+00;
	v1 =	vimm.f32 $1.000000000e+00;
	s9 =	sadd.s32 $0x10000, s5;
	s11 =	sadd.s32 $0xCE00, s11;
	s16 =	sshrl.u32 s5, $0x3  }
.LBB2_1:
0xe: {  	s18 =	simm.s32 $0x0;
	s19 =	simm.s32 $0x200  }
.LBB2_2:
0xf: {  	p0 =	sne.s32 s19, $0xFE00;
	[tilespmem:s18+$0xF0] =	vst v0  }
0x10: {  	[tilespmem:s18+$0x80] =	vst v0  }
0x11: {  	[tilespmem:s18+$0x90] =	vst v0  }
.Ltmp0:
0x12: {  	[tilespmem:s18+$0xA0] =	vst v0;
	(pc) =	sbr.rel @p0 .LBB2_2-.Ltmp0, $4  }
0x13: {  	[tilespmem:s18+$0xB0] =	vst v0  }
0x14: {  	[tilespmem:s18+$0xC0] =	vst v0  }
0x15: {  	[tilespmem:s18+$0xD0] =	vst v0  }
0x16: {  	[tilespmem:s18+$0xE0] =	vst v0;
	s18 =	sshra.s32 s19, $0x2;
	s19 =	sadd.s32 $0x200, s19  }
0x17: {  	[tilespmem:s18+$0xF0] =	vst v0  }
0x18: {  	[tilespmem:s18+$0x80] =	vst v0  }
0x19: {  	[tilespmem:s18+$0x90] =	vst v0  }
0x1a: {  	[tilespmem:s18+$0xA0] =	vst v0  }
0x1b: {  	[tilespmem:s18+$0xB0] =	vst v0  }
0x1c: {  	[tilespmem:s18+$0xC0] =	vst v0  }
0x1d: {  	[tilespmem:s18+$0xD0] =	vst v0  }
0x1e: {  	[tilespmem:s18+$0xE0] =	vst v0  }
0x1f: {  	[spmem:s5] =	stream.linear.scatter [tilespmem:s13], [sflag:$0x1], $0x4000, $0x38;
	[tilespmem:$0x18080] =	vst v63  }
0x20: {  	_ =	swait.ge [sflag:s14], $0x4000  }
0x21: {  	[sflag:s14] =	ssyncset.done $0x0  }
0x22: {  	[sflag:s14] =	ssyncadd.s32 $0xFFFFC000  }
0x23: {  	[spmem:s6] =	stream.linear.scatter [tilespmem:s13], [sflag:$0x1], $0x4000, $0x38;
	[tilespmem:$0x18080] =	vst v63  }
0x24: {  	_ =	swait.ge [sflag:s14], $0x4000  }
0x25: {  	[sflag:s14] =	ssyncset.done $0x0  }
0x26: {  	[sflag:s14] =	ssyncadd.s32 $0xFFFFC000  }
0x27: {  	[spmem:s7] =	stream.linear.scatter [tilespmem:s13], [sflag:$0x1], $0x4000, $0x38;
	[tilespmem:$0x18080] =	vst v63  }
0x28: {  	_ =	swait.ge [sflag:s14], $0x4000  }
0x29: {  	[sflag:s14] =	ssyncset.done $0x0  }
0x2a: {  	[sflag:s14] =	ssyncadd.s32 $0xFFFFC000  }
0x2b: {  	[spmem:s8] =	stream.linear.scatter [tilespmem:s13], [sflag:$0x1], $0x4000, $0x38;
	[tilespmem:$0x18080] =	vst v63  }
0x2c: {  	_ =	swait.ge [sflag:s14], $0x4000  }
0x2d: {  	[sflag:s14] =	ssyncset.done $0x0  }
0x2e: {  	[sflag:s14] =	ssyncadd.s32 $0xFFFFC000  }
0x2f: {  	[spmem:s9] =	stream.linear.scatter [tilespmem:s13], [sflag:$0x1], $0x4000, $0x38;
	[tilespmem:$0x18080] =	vst v63  }
0x30: {  	_ =	swait.ge [sflag:s14], $0x4000  }
0x31: {  	[sflag:s14] =	ssyncset.done $0x0  }
0x32: {  	s18 =	simm.s32 $0x0;
	s19 =	simm.s32 $0x200;
	[sflag:s14] =	ssyncadd.s32 $0xFFFFC000  }
.LBB2_4:
0x33: {  	p0 =	sne.s32 s19, $0xFE00;
	[tilespmem:s18+$0xF0] =	vst v1  }
0x34: {  	[tilespmem:s18+$0x80] =	vst v1  }
0x35: {  	[tilespmem:s18+$0x90] =	vst v1  }
.Ltmp1:
0x36: {  	[tilespmem:s18+$0xA0] =	vst v1;
	(pc) =	sbr.rel @p0 .LBB2_4-.Ltmp1, $4  }
0x37: {  	[tilespmem:s18+$0xB0] =	vst v1  }
0x38: {  	[tilespmem:s18+$0xC0] =	vst v1  }
0x39: {  	[tilespmem:s18+$0xD0] =	vst v1  }
0x3a: {  	[tilespmem:s18+$0xE0] =	vst v1;
	s18 =	sshra.s32 s19, $0x2;
	s19 =	sadd.s32 $0x200, s19  }
0x3b: {  	[tilespmem:s18+$0xF0] =	vst v1  }
0x3c: {  	[tilespmem:s18+$0x80] =	vst v1  }
0x3d: {  	[tilespmem:s18+$0x90] =	vst v1  }
0x3e: {  	[tilespmem:s18+$0xA0] =	vst v1;
	s19 =	simm.s32 $0x0  }
0x3f: {  	[tilespmem:s18+$0xB0] =	vst v1;
	s20 =	sand.u32 $0x3C00, s19  }
0x40: {  	[tilespmem:s18+$0xC0] =	vst v1;
	s19 =	sand.u32 $0x380, s19;
	s20 =	sadd.s32 s10, s20  }
0x41: {  	[tilespmem:s18+$0xD0] =	vst v1;
	s19 =	sor.u32 s19, s20  }
0x42: {  	[tilespmem:s18+$0xE0] =	vst v1;
	s28 =	sshrl.u32 s19, $0x3  }
0x43: {  	[bflag:$0x0] =	sbarrier.arrive $0xFFFF;
	s18 =	sadd.s32 s4, s28  }
0x44: {  	[tilespmem:s3], [sflag:$0x1] =	stream.linear.gather [hbm4b:s18+s3], $0x80, $0x38;
	[tilespmem:$0x18080] =	vst v63  }
0x45: {  	_ =	swait.ge [sflag:s14], $0x80  }
0x46: {  	s29 =	simm.s32 $0x80;
	[sflag:s14] =	ssyncset.done $0x0  }
0x47: {  	s30 =	sand.u32 $0x3C00, s29;
	[sflag:s14] =	ssyncadd.s32 $0xFFFFFF80  }
0x48: {  	[spmem:s2] =	stream.indirect.scatter.add.f32 [tilespmem:s13], [sflag:$0x1], $0x80, s3, s13, $0xb8;
	[tilespmem:$0x18080] =	vst v63  }
0x49: {  	s31 =	sand.u32 $0x380, s29;
	s19 =	sadd.s32 s10, s30;
	_ =	swait.ge [sflag:s14], $0x4000  }
0x4a: {  	s19 =	sor.u32 s31, s19;
	s18 =	simm.s32 $0x100;
	[sflag:s14] =	ssyncset.done $0x0  }
.LBB2_6:
0x4b: {  	s19 =	sshrl.u32 s19, $0x3  }
0x4c: {  	[sflag:s14] =	ssyncadd.s32 $0xFFFFC000;
	s20 =	smov.u32 s18;
	s21 =	sadd.s32 $0x80, s18  }
0x4d: {  	p0 =	sne.s32 s18, $0x2700;
	s18 =	sadd.s32 s4, s19  }
0x4e: {  	[tilespmem:s3], [sflag:$0x1] =	stream.linear.gather [hbm4b:s18+s3], $0x80, $0x38;
	[tilespmem:$0x18080] =	vst v63  }
0x4f: {  	_ =	swait.ge [sflag:s14], $0x80  }
.Ltmp2:
0x50: {  	[sflag:s14] =	ssyncset.done $0x0;
	(pc) =	sbr.rel @p0 .LBB2_6-.Ltmp2, $4  }
0x51: {  	s18 =	sand.u32 $0x3C00, s20;
	[sflag:s14] =	ssyncadd.s32 $0xFFFFFF80  }
0x52: {  	[spmem:s2] =	stream.indirect.scatter.add.f32 [tilespmem:s13], [sflag:$0x1], $0x80, s3, s13, $0xb8;
	[tilespmem:$0x18080] =	vst v63  }
0x53: {  	s19 =	sand.u32 $0x380, s20;
	s18 =	sadd.s32 s10, s18;
	_ =	swait.ge [sflag:s14], $0x4000  }
0x54: {  	s19 =	sor.u32 s19, s18;
	s18 =	smov.u32 s21;
	[sflag:s14] =	ssyncset.done $0x0  }
0x55: {  	s18 =	sshrl.u32 s19, $0x3  }
0x56: {  	[sflag:s14] =	ssyncadd.s32 $0xFFFFC000;
	s18 =	sadd.s32 s4, s18  }
0x57: {  	[tilespmem:s3], [sflag:$0x1] =	stream.linear.gather [hbm4b:s18+s3], $0x80, $0x38;
	[tilespmem:$0x18080] =	vst v63  }
0x58: {  	_ =	swait.ge [sflag:s14], $0x80  }
0x59: {  	[sflag:s14] =	ssyncset.done $0x0  }
0x5a: {  	[sflag:s14] =	ssyncadd.s32 $0xFFFFFF80  }
0x5b: {  	[spmem:s2] =	stream.indirect.scatter.add.f32 [tilespmem:s13], [sflag:$0x1], $0x80, s3, s13, $0xb8;
	[tilespmem:$0x18080] =	vst v63  }
0x5c: {  	_ =	swait.ge [sflag:s14], $0x4000  }
0x5d: {  	s17 =	sadd.s32 $0x1, s17;
	[sflag:s14] =	ssyncset.done $0x0  }
0x5e: {  	p0 =	sne.s32 s17, s12;
	[sflag:s14] =	ssyncadd.s32 $0xFFFFC000  }
.Ltmp3:
0x5f: {  	[bflag:$0x0] =	sbarrier.arrive $0xFFFF;
	(pc) =	sbr.rel @p0 .LBB2_1-.Ltmp3, $4  }
0x60: {  	[hbm:s11], [sflag:s15] =	dma.local [spmem:s16], $0x2800  }
0x61: {  	_ =	swait.ge [sflag:s14], $0x2800  }
0x62: {  	[sflag:s14] =	ssyncset.done $0x0  }
0x63: {  	[sflag:s14] =	ssyncadd.s32 $0xFFFFD800  }
0x64: {  	_ =	sfence.sel $0x180000  }
0x65: {  	[bflag:$0x0] =	sbarrier.arrive $0xFFFF  }
0x66: {  	p0 =	sne.s32 s0, $0x0;
	_ =	strace $0x90000047  }
0x67: {  	s0 =	sadd.s32 @!p0 $0x100000, s1;
	[bflag:$0x2] =	sbarrier.arrive $0xFFFF  }
0x68: {  	[sflag:s0] =	ssyncadd.tile.s32 @!p0 $0x1;
	_ =	shalt  }
.Lfunc_end2:
_tile_overlayer_lowered:
.L_overlay_start_2:
0x69: {  	(tag) =	ssettag $0x2  }
0x6a: {  	s0 =	rddreg [dreg:$0x0];
	s2 =	stileid.u32  }
0x6b: {  	s1 =	rddreg [dreg:$0x1];
	p0 =	sne.s32 s2, $0x0  }
0x6c: {  	s3 =	rddreg [dreg:$0x2];
	[bflag:$0x3] =	sbarrier.arrive $0xFFFF;
	s2 =	simm.s32 @!p0 $0x1C01  }
0x6d: {  	[timem:s3], [sflag:s2] =	dma.local @!p0 [hbm:s0], s1  }
0x6e: {  	s0 =	simm.s32 @!p0 $0x1  }
0x6f: {  	_ =	swait.ge @!p0 [sflag:s0], s1  }
0x70: {  	s1 =	ssub.s32 @!p0 $0x0, s1;
	[sflag:s0] =	ssyncset.done @!p0 $0x0  }
0x71: {  	[sflag:s0] =	ssyncadd.s32 @!p0 s1  }
0x72: {  	[bflag:$0x3] =	sbarrier.arrive $0xFFFF  }
0x73: {  	_ =	shalt  }

</sc_bundles>
